<compile_context>
chip_gen: v7x
topology: tpu7x:2x2x1
jax: 0.10.2.dev20260603
libtpu: 0.0.44.dev20260713+nightly
codegen_flags: <defaults>
</compile_context>

<pallas_src>
import functools

import jax
import jax.numpy as jnp
from jax import lax
from jax.experimental import pallas as pl
from jax.experimental.pallas import tpu as pltpu
from jax.experimental.pallas import tpu_sc as plsc

_FOLD = 8
_NSP = 4
_NCLS = 21
_W = 64
_PAIR = 2
_NB = _NSP * _PAIR
_NPIX = _W * _W * _PAIR
_NPAIRS = _FOLD * _FOLD // _PAIR
_HPAD = 176


def _tile_kernel(x_ref, feat_ref, sdf_ref, fW_ref, fb_ref, sW_ref,
                 sb_ref, cent_ref, map_ref):
    f32 = jnp.float32
    mm = functools.partial(jax.lax.dot_general, preferred_element_type=f32)
    cP = functools.partial(mm, dimension_numbers=(((1,), (1,)), ((), ())))

    xf = x_ref[0].reshape(x_ref.shape[1], _NPIX)
    pix = feat_ref[0].reshape(feat_ref.shape[1], _NPIX)
    sdfx = sdf_ref[0].reshape(sdf_ref.shape[1], _NPIX)

    deep = mm(fW_ref[...], xf, (((0,), (0,)), ((), ()))) + fb_ref[...]
    sdfp = mm(sW_ref[...], sdfx, (((0,), (0,)), ((), ()))) + sb_ref[...]

    p = jax.lax.broadcasted_iota(jnp.int32, (1, _NPIX), 1)
    sub = (p // _W) % _PAIR
    q = 2 * (p // (_NPIX // 2)) + (p % _W) // 32
    lab = _NSP * sub + q

    s8 = jax.lax.broadcasted_iota(jnp.int32, (_NB, _NPIX), 0)
    same = (s8 // _NSP) == sub
    onehot = jnp.where(s8 == lab, 1.0, 0.0).astype(f32)
    disp = jnp.abs(s8 % _NSP - q)
    w8 = jnp.where(same & (disp == 1), 2.0,
                   jnp.where(same, 1.0, 0.0)).astype(f32)

    inv_cnt = 1.0 / (_W * _W / _NSP)
    spix0 = cP(onehot, pix) * inv_cnt
    deep_c = cP(onehot, deep) * inv_cnt
    sdf_c = cP(onehot, sdfp) * inv_cnt

    pn_pix = jnp.sum(pix * pix, axis=0, keepdims=True)
    pn_deep = jnp.sum(deep * deep, axis=0, keepdims=True)
    pn_sdf = jnp.sum(sdfp * sdfp, axis=0, keepdims=True)

    def d8_of(cT, arr, pn):
        sn = jnp.sum(cT * cT, axis=1, keepdims=True)
        cross = mm(cT, arr, (((1,), (0,)), ((), ())))
        return pn + sn - 2.0 * cross

    d_deep8 = d8_of(deep_c, deep, pn_deep)
    d_sdf8 = d8_of(sdf_c, sdfp, pn_sdf)

    spixT = spix0
    aff = None
    for k in range(2):
        d8 = (d8_of(spixT, pix, pn_pix) + d_deep8) + d_sdf8
        dm = jnp.where(same, d8, 1e16)
        mn = jnp.min(dm, axis=0, keepdims=True)
        e = w8 * jnp.exp(mn - dm)
        aff = e / jnp.sum(e, axis=0, keepdims=True)
        if k == 0:
            sp_new = cP(aff, pix)
            spixT = sp_new / (jnp.sum(aff, axis=1, keepdims=True) + 1e-16)

    mx = jnp.max(aff, axis=0, keepdims=True)
    cand = jnp.where(aff == mx, s8, _NB)
    idx = jnp.min(cand, axis=0, keepdims=True)
    mask8 = jnp.where(s8 == idx, 1.0, 0.0).astype(f32)
    sim = aff * mask8

    cent_ref[0, 0] = (cP(sim, pix) + spix0) / (
        jnp.sum(sim, axis=1, keepdims=True) + 1.0)

    fold_base = pl.program_id(0) * _FOLD + pl.program_id(1) * _PAIR
    map_ref[0, 0] = idx.astype(f32) + (fold_base * _NSP).astype(f32)


def _sc_hist(smap_hbm, gt_hbm, out_hbm, smap_v, gt_v, hist_v, res_v):
    nstrip = smap_hbm.shape[0]
    per = nstrip // 32
    wid = lax.axis_index("s") * 2 + lax.axis_index("c")
    lane_off = lax.broadcasted_iota(jnp.int32, (16,), 0) * _HPAD
    ones = jnp.ones((16,), jnp.float32)

    def zero_body(i, c):
        hist_v[pl.ds(i * 16, 16)] = jnp.zeros((16,), jnp.float32)
        return c
    lax.fori_loop(0, 16 * _HPAD // 16, zero_body, 0)

    def do_strip(t, carry):
        r = wid * per + t
        rr = r % _NPAIRS
        fold_base = _FOLD * (rr // (_FOLD // _PAIR)) + _PAIR * (rr % (_FOLD // _PAIR))
        pltpu.sync_copy(smap_hbm.at[r], smap_v)
        pltpu.sync_copy(gt_hbm.at[r], gt_v)

        def px_body(i, c):
            sv = smap_v[pl.ds(i * 16, 16)]
            sloc = sv.astype(jnp.int32) - _NSP * fold_base
            gv = gt_v[pl.ds(i * 16, 16)]
            b = gv * _NB + sloc + lane_off
            plsc.addupdate_scatter(hist_v, [b], ones)
            return c
        lax.fori_loop(0, _NPIX // 16, px_body, 0)

        def red_body(cidx, c):
            acc = jnp.zeros((16,), jnp.float32)
            for l in range(16):
                acc = acc + hist_v[pl.ds(l * _HPAD + cidx * 16, 16)]
                hist_v[pl.ds(l * _HPAD + cidx * 16, 16)] = jnp.zeros(
                    (16,), jnp.float32)
            res_v[pl.ds(cidx * 16, 16)] = acc
            return c
        lax.fori_loop(0, _HPAD // 16, red_body, 0)
        pltpu.sync_copy(res_v, out_hbm.at[r])
        return carry

    lax.fori_loop(0, per, do_strip, 0)


def _tc_half(b, xb, featb, sdfb, f_W, fb2, s_W, sb2):
    C = featb.shape[1]
    return pl.pallas_call(
        _tile_kernel,
        grid=(_FOLD, _FOLD // _PAIR),
        in_specs=[
            pl.BlockSpec((1, xb.shape[1], _W, _PAIR * _W),
                         lambda i, j, b=b: (b, 0, i, j)),
            pl.BlockSpec((1, C, _W, _PAIR * _W),
                         lambda i, j, b=b: (b, 0, i, j)),
            pl.BlockSpec((1, sdfb.shape[1], _W, _PAIR * _W),
                         lambda i, j, b=b: (b, 0, i, j)),
            pl.BlockSpec(f_W.shape, lambda i, j: (0, 0)),
            pl.BlockSpec((f_W.shape[1], 1), lambda i, j: (0, 0)),
            pl.BlockSpec(s_W.shape, lambda i, j: (0, 0)),
            pl.BlockSpec((s_W.shape[1], 1), lambda i, j: (0, 0)),
        ],
        out_specs=[
            pl.BlockSpec((1, 1, _NB, C),
                         lambda i, j: (0, i * (_FOLD // _PAIR) + j, 0, 0)),
            pl.BlockSpec((1, 1, 1, _NPIX),
                         lambda i, j: (0, i * (_FOLD // _PAIR) + j, 0, 0)),
        ],
        out_shape=[
            jax.ShapeDtypeStruct((1, _NPAIRS, _NB, C), jnp.float32),
            jax.ShapeDtypeStruct((1, _NPAIRS, 1, _NPIX), jnp.float32),
        ],
        compiler_params=pltpu.CompilerParams(
            dimension_semantics=("parallel", "parallel")),
    )(xb, featb, sdfb, f_W, fb2, s_W, sb2)


def _sc_half(smap32, gt32):
    return pl.kernel(
        _sc_hist,
        out_type=jax.ShapeDtypeStruct((_NPAIRS, _HPAD), jnp.float32),
        mesh=plsc.VectorSubcoreMesh(core_axis_name="c", subcore_axis_name="s",
                                    num_cores=2, num_subcores=16),
        compiler_params=pltpu.CompilerParams(needs_layout_passes=False),
        scratch_types=[
            pltpu.VMEM((_NPIX,), jnp.float32),
            pltpu.VMEM((_NPIX,), jnp.int32),
            pltpu.VMEM((16 * _HPAD,), jnp.float32),
            pltpu.VMEM((_HPAD,), jnp.float32),
        ],
    )(smap32, gt32)


def kernel(x, gt, feat, sdf_data, f_W, f_b, s_W, s_b):
    B = x.shape[0]
    C = feat.shape[1]
    gt_t = (gt.reshape(B, _FOLD, _W, _FOLD // _PAIR, _PAIR * _W)
              .transpose(0, 1, 3, 2, 4)
              .reshape(B, _NPAIRS, _NPIX).astype(jnp.int32))
    fb2 = f_b.reshape(-1, 1)
    sb2 = s_b.reshape(-1, 1)

    cents, smaps, counts = [], [], []
    for b in range(B):
        cent_b, smap_b = _tc_half(b, x, feat, sdf_data, f_W, fb2, s_W, sb2)
        cents.append(cent_b)
        smaps.append(smap_b)
        counts.append(_sc_half(smap_b.reshape(_NPAIRS, _NPIX), gt_t[b]))

    cent = jnp.stack(cents, axis=0)[:, 0]
    smap = jnp.stack(smaps, axis=0)[:, 0]
    cnt = jnp.stack(counts, axis=0)

    center_feat = cent.reshape(B, _FOLD * _FOLD * _NSP, C)
    labels = (cnt[:, :, :_NCLS * _NB].reshape(B, _NPAIRS, _NCLS, _NB)
              .transpose(0, 2, 1, 3).reshape(B, _NCLS, _FOLD * _FOLD * _NSP))
    spix_map = (smap.reshape(B, _FOLD, _FOLD // _PAIR, _W, _PAIR * _W)
                    .transpose(0, 1, 3, 2, 4)
                    .reshape(B, _FOLD * _W, _FOLD * _W))
    return center_feat, labels, spix_map

# --- scband reference (transcript-rebuilt; emitter-appended) ---
"""Pipeline reference for scband-cluster-42889543417975 (READ-ONLY COPY).

The authoritative reference and input builder live on the scoring server;
editing this copy changes nothing except your own understanding.
"""

import jax, jax.numpy as jnp
import numpy as np

FOLD = 8
PROP = 2
NUM_CLASSES = 21
HIDDEN = 96


def conv1x1(x, W, b):
    return jnp.einsum('bchw,cd->bdhw', x, W) + b[None, :, None, None]


def fold_img(t, f):
    b, c, Wd, Hd = t.shape
    w, h = Wd // f, Hd // f
    t = t.reshape(b, c, f, w, f, h)
    return jnp.transpose(t, (0, 2, 4, 1, 3, 5)).reshape(b * f * f, c, w, h)


def adaptive_pool(t, ph, pw):
    b, c, w, h = t.shape
    return t.reshape(b, c, ph, w // ph, pw, h // pw).mean(axis=(3, 5))


def dist_all(featp, cent):
    # featp: [b,c,P_pix], cent: [b,c,S] -> [b,S,P_pix] squared euclidean
    pn = jnp.sum(featp ** 2, axis=1)[:, None, :]
    sn = jnp.sum(cent ** 2, axis=1)[:, :, None]
    cross = jnp.einsum('bcs,bcp->bsp', cent, featp)
    return pn + sn - 2.0 * cross


def forward(x, gt, feat, sdf_data, f_W, f_b, s_W, s_b):
    B = x.shape[0]
    hsi = conv1x1(x, f_W, f_b)
    sdf = conv1x1(sdf_data, s_W, s_b)
    value = fold_img(feat, FOLD)
    hsi_s = fold_img(hsi, FOLD)
    sdf_s = fold_img(sdf, FOLD)
    b, c, w, h = value.shape
    n_pix = w * h
    num_sp = PROP * PROP
    value_centers = adaptive_pool(value, PROP, PROP).reshape(b, c, num_sp)
    # ---- ssn_iter (torch.no_grad in original) ----
    pix = value.reshape(b, c, n_pix)
    deep = hsi_s.reshape(b, HIDDEN, n_pix)
    sdfp = sdf_s.reshape(b, HIDDEN, n_pix)
    spix = value_centers  # init centroids [b,c,num_sp]
    lab2d = (jnp.arange(w)[:, None] // (w // PROP)) * PROP + (jnp.arange(h)[None, :] // (h // PROP))
    init_label = jnp.broadcast_to(lab2d.reshape(1, n_pix), (b, n_pix))
    onehot = jax.nn.one_hot(init_label, num_sp, dtype=pix.dtype)
    counts = onehot.sum(axis=1) + 1e-16
    deep_c = jnp.einsum('bcp,bps->bcs', deep, onehot) / counts[:, None, :]
    sdf_c = jnp.einsum('bcp,bps->bcs', sdfp, onehot) / counts[:, None, :]
    r = jnp.arange(-1, 2)
    rel = jnp.concatenate([r - PROP, r, r + PROP], axis=0)
    abs_spix = init_label[:, None, :] + rel[None, :, None]
    valid = (abs_spix >= 0) & (abs_spix < num_sp)
    s_cl = jnp.clip(abs_spix, 0, num_sp - 1)
    b_idx = jnp.broadcast_to(jnp.arange(b)[:, None, None], s_cl.shape)
    p_idx = jnp.broadcast_to(jnp.arange(n_pix)[None, None, :], s_cl.shape)
    pix_t = jnp.transpose(pix, (0, 2, 1))
    d_deep = jnp.take_along_axis(dist_all(deep, deep_c), s_cl, axis=1)
    d_sdf = jnp.take_along_axis(dist_all(sdfp, sdf_c), s_cl, axis=1)
    abs_aff = None
    for k in range(2):
        d_pix = jnp.take_along_axis(dist_all(pix, spix), s_cl, axis=1)
        d = jnp.where(valid, d_pix + d_deep + d_sdf, 1e16)
        aff = jax.nn.softmax(-d, axis=1)
        vals = jnp.where(valid, aff, 0.0)
        abs_aff = jnp.zeros((b, num_sp, n_pix), pix.dtype).at[b_idx, s_cl, p_idx].add(vals)
        if k == 0:
            sp_new = jnp.einsum('bsp,bpc->bsc', abs_aff, pix_t)
            sp_new = sp_new / (abs_aff.sum(axis=2, keepdims=True) + 1e-16)
            spix = jnp.transpose(sp_new, (0, 2, 1))
    sim = jax.lax.stop_gradient(abs_aff)
    # ---- argmax one-hot masking (top-1 mask) ----
    idx = jnp.argmax(sim, axis=1)
    mask = (jnp.arange(num_sp)[None, :, None] == idx[:, None, :]).astype(sim.dtype)
    sim = sim * mask
    value2 = pix_t
    vc = jnp.transpose(value_centers, (0, 2, 1))
    out = (jnp.einsum('bmp,bpc->bmc', sim, value2) + vc) / (sim.sum(axis=-1, keepdims=True) + 1.0)
    center_feat = out.reshape(B, FOLD * FOLD * num_sp, c)
    mask5 = mask.reshape(B, FOLD * FOLD, num_sp, w, h)
    # ---- gen_labels (torch.no_grad) ----
    coef = jnp.arange(num_sp, dtype=mask.dtype).reshape(1, 1, num_sp, 1, 1)
    small = (mask5 * coef).sum(axis=2)
    bias = jnp.arange(0, FOLD * FOLD * num_sp, num_sp, dtype=mask.dtype).reshape(1, FOLD * FOLD, 1, 1)
    small = small + bias
    spix_map = small.reshape(B, FOLD, FOLD, w, h).transpose(0, 1, 3, 2, 4).reshape(B, FOLD * w, FOLD * h)
    gt_r = gt.reshape(B, FOLD, w, FOLD, h).transpose(0, 1, 3, 2, 4).reshape(B, FOLD * FOLD, w, h) + 1
    gt_filt = (gt_r[:, :, None, :, :].astype(mask.dtype) * mask5).reshape(B, FOLD * FOLD, num_sp, n_pix).astype(jnp.int32)
    N = B * FOLD * FOLD * num_sp
    flat_idx = gt_filt.reshape(N, n_pix)
    count = jnp.zeros((N, NUM_CLASSES + 1), jnp.int32).at[jnp.arange(N)[:, None], flat_idx].add(1)
    count = count.reshape(B, FOLD * FOLD, num_sp, NUM_CLASSES + 1)
    labels = jnp.transpose(count[..., 1:], (0, 3, 1, 2)).reshape(B, NUM_CLASSES, FOLD * FOLD * num_sp).astype(jnp.float32)
    return center_feat, labels, spix_map


def setup_inputs(seed: int = 0):
    key = jax.random.key(seed)
    ks = jax.random.split(key, 6)
    B, DIM, C_FEAT, H, W = 2, 97, 96, 512, 512
    x = jax.random.normal(ks[0], (B, DIM, H, W), jnp.float32)
    gt = jax.random.randint(ks[1], (B, H, W), 0, NUM_CLASSES)
    feat = jax.random.normal(ks[2], (B, C_FEAT, H, W), jnp.float32)
    sdf_data = jax.random.normal(ks[3], (B, DIM - 1, H, W), jnp.float32)
    f_W = jax.random.normal(ks[4], (DIM, HIDDEN), jnp.float32) * (2.0 / DIM) ** 0.5
    f_b = jnp.zeros((HIDDEN,), jnp.float32)
    s_W = jax.random.normal(ks[5], (DIM - 1, HIDDEN), jnp.float32) * (2.0 / (DIM - 1)) ** 0.5
    s_b = jnp.zeros((HIDDEN,), jnp.float32)
    return {'x': x, 'gt': gt, 'feat': feat, 'sdf_data': sdf_data, 'f_W': f_W, 'f_b': f_b, 's_W': s_W, 's_b': s_b}


def reference(x, gt, feat, sdf_data, f_W, f_b, s_W, s_b):
    return forward(x, gt, feat, sdf_data, f_W, f_b, s_W, s_b)

if __name__ == "__main__":
    import jax
    _d = setup_inputs()
    print(jax.jit(kernel)(*tuple(_d.values())))

</pallas_src>

<mosaic_0001>
#map = affine_map<(d0, d1) -> (0, 0)>
module attributes {stable_mosaic.version = 14 : i64} {
  func.func @_sc_hist(%arg0: i32, %arg1: i32, %arg2: memref<32x8192xf32, #tpu.memory_space<hbm>>, %arg3: memref<32x8192xi32, #tpu.memory_space<hbm>>, %arg4: memref<32x176xf32, #tpu.memory_space<hbm>>, %arg5: memref<8192xf32, #tpu.memory_space<vmem>>, %arg6: memref<8192xi32, #tpu.memory_space<vmem>>, %arg7: memref<2816xf32, #tpu.memory_space<vmem>>, %arg8: memref<176xf32, #tpu.memory_space<vmem>>) attributes {dimension_semantics = [#tpu.dimension_semantics<core_parallel>, #tpu.dimension_semantics<subcore_parallel>], iteration_bounds = array<i64: 2, 16>, scalar_prefetch = 0 : i64, scratch_operands = 4 : i64, tpu.core_type = #tpu.core_type<sc_vector_subcore>, window_params = [{transform_indices = #map}, {transform_indices = #map}, {transform_indices = #map}]} {
    %mul3A = arith.constant 2 : i32
    %mul3A_0 = arith.muli %arg1, %mul3A : i32
    %add3A = arith.addi %mul3A_0, %arg0 : i32
    %iota3A = tpu.iota {dimensions = array<i32: 0>} : vector<16xi32>
    %mul3A_1 = arith.constant 176 : i32
    %mul3A_2 = vector.broadcast %mul3A_1 : i32 to vector<16xi32>
    %mul3A_3 = arith.muli %iota3A, %mul3A_2 : vector<16xi32>
    %broadcast_in_dim3A = arith.constant 1.000000e+00 : f32
    %broadcast_in_dim3A_4 = vector.broadcast %broadcast_in_dim3A : f32 to vector<16xf32>
    %scan3A = arith.constant 0 : i32
    %scan3A_5 = arith.constant 0 : i32
    %scan3A_6 = arith.constant 176 : i32
    %scan3A_7 = arith.addi %scan3A_5, %scan3A_6 : i32
    %scan3A_8 = arith.constant 1 : i32
    scf.for %scan3A_79 = %scan3A_5 to %scan3A_7 step %scan3A_8  : i32 {
      %broadcast_in_dim3A_80 = arith.constant 0.000000e+00 : f32
      %broadcast_in_dim3A_81 = vector.broadcast %broadcast_in_dim3A_80 : f32 to vector<16xf32>
      %mul3A_82 = arith.constant 16 : i32
      %mul3A_83 = arith.muli %scan3A_79, %mul3A_82 : i32
      %swap3A = arith.index_cast %mul3A_83 : i32 to index
      %swap3A_84 = tpu.vector_load %arg7[%swap3A] {strides = array<i32>} : memref<2816xf32, #tpu.memory_space<vmem>>, vector<16xf32>,
      tpu.vector_store %arg7[%swap3A], %broadcast_in_dim3A_81 {strides = array<i32>} : memref<2816xf32, #tpu.memory_space<vmem>>, vector<16xf32>,
    }
    %scan3A_9 = arith.constant 176 : i32
    %scan3A_10 = arith.constant 0 : i32
    %scan3A_11 = arith.constant 0 : i32
    %mul3A_12 = arith.constant 1 : i32
    %mul3A_13 = arith.muli %add3A, %mul3A_12 : i32
    %add3A_14 = arith.addi %mul3A_13, %scan3A_11 : i32
    %jit3A = arith.constant 32 : i32
    %eq3A = arith.constant 0 : i32
    %eq3A_15 = arith.cmpi eq, %jit3A, %eq3A : i32
    %jit3A_16 = arith.constant 1 : i32
    %select_n3A = arith.select %eq3A_15, %jit3A_16, %jit3A : i32
    %rem3A = arith.remsi %add3A_14, %select_n3A : i32
    %ne3A = arith.constant 0 : i32
    %ne3A_17 = arith.cmpi ne, %rem3A, %ne3A : i32
    %lt3A = arith.constant 0 : i32
    %lt3A_18 = arith.cmpi slt, %rem3A, %lt3A : i32
    %lt3A_19 = arith.constant 0 : i32
    %lt3A_20 = arith.cmpi slt, %select_n3A, %lt3A_19 : i32
    %ne3A_21 = arith.xori %lt3A_18, %lt3A_20 : i1
    %and3A = arith.andi %ne3A_21, %ne3A_17 : i1
    %add3A_22 = arith.addi %rem3A, %select_n3A : i32
    %select_n3A_23 = arith.select %and3A, %add3A_22, %rem3A : i32
    %jit3A_24 = arith.constant 4 : i32
    %div3A = arith.divsi %select_n3A_23, %jit3A_24 : i32
    %sign3A = arith.constant 0 : i32
    %sign3A_25 = arith.cmpi sgt, %select_n3A_23, %sign3A : i32
    %sign3A_26 = arith.extui %sign3A_25 : i1 to i32
    %sign3A_27 = arith.constant 0 : i32
    %sign3A_28 = arith.cmpi slt, %select_n3A_23, %sign3A_27 : i32
    %sign3A_29 = arith.extui %sign3A_28 : i1 to i32
    %sign3A_30 = arith.subi %sign3A_26, %sign3A_29 : i32
    %sign3A_31 = arith.constant 0 : i32
    %sign3A_32 = arith.cmpi sgt, %jit3A_24, %sign3A_31 : i32
    %sign3A_33 = arith.extui %sign3A_32 : i1 to i32
    %sign3A_34 = arith.constant 0 : i32
    %sign3A_35 = arith.cmpi slt, %jit3A_24, %sign3A_34 : i32
    %sign3A_36 = arith.extui %sign3A_35 : i1 to i32
    %sign3A_37 = arith.subi %sign3A_33, %sign3A_36 : i32
    %ne3A_38 = arith.cmpi ne, %sign3A_30, %sign3A_37 : i32
    %rem3A_39 = arith.remsi %select_n3A_23, %jit3A_24 : i32
    %ne3A_40 = arith.constant 0 : i32
    %ne3A_41 = arith.cmpi ne, %rem3A_39, %ne3A_40 : i32
    %and3A_42 = arith.andi %ne3A_38, %ne3A_41 : i1
    %sub3A = arith.constant 1 : i32
    %sub3A_43 = arith.subi %div3A, %sub3A : i32
    %select_n3A_44 = arith.select %and3A_42, %sub3A_43, %div3A : i32
    %mul3A_45 = arith.constant 8 : i32
    %mul3A_46 = arith.muli %mul3A_45, %select_n3A_44 : i32
    %jit3A_47 = arith.constant 4 : i32
    %eq3A_48 = arith.constant 0 : i32
    %eq3A_49 = arith.cmpi eq, %jit3A_47, %eq3A_48 : i32
    %jit3A_50 = arith.constant 1 : i32
    %select_n3A_51 = arith.select %eq3A_49, %jit3A_50, %jit3A_47 : i32
    %rem3A_52 = arith.remsi %select_n3A_23, %select_n3A_51 : i32
    %ne3A_53 = arith.constant 0 : i32
    %ne3A_54 = arith.cmpi ne, %rem3A_52, %ne3A_53 : i32
    %lt3A_55 = arith.constant 0 : i32
    %lt3A_56 = arith.cmpi slt, %rem3A_52, %lt3A_55 : i32
    %lt3A_57 = arith.constant 0 : i32
    %lt3A_58 = arith.cmpi slt, %select_n3A_51, %lt3A_57 : i32
    %ne3A_59 = arith.xori %lt3A_56, %lt3A_58 : i1
    %and3A_60 = arith.andi %ne3A_59, %ne3A_54 : i1
    %add3A_61 = arith.addi %rem3A_52, %select_n3A_51 : i32
    %select_n3A_62 = arith.select %and3A_60, %add3A_61, %rem3A_52 : i32
    %mul3A_63 = arith.constant 2 : i32
    %mul3A_64 = arith.muli %mul3A_63, %select_n3A_62 : i32
    %add3A_65 = arith.addi %mul3A_46, %mul3A_64 : i32
    "tpu.region"() ({
      %run_scoped3A = tpu.sem_alloc : memref<!tpu.dma_semaphore, #tpu.memory_space<semaphore_mem>>
      %dma_start3A = arith.constant 0 : i32
      %dma_start3A_79 = tpu.memref_slice %arg2[%add3A_14, %dma_start3A] : memref<32x8192xf32, #tpu.memory_space<hbm>> -> memref<1x8192xf32, #tpu.memory_space<hbm>>
      %dma_start3A_80 = tpu.memref_squeeze %dma_start3A_79 : memref<1x8192xf32, #tpu.memory_space<hbm>> -> memref<8192xf32, #tpu.memory_space<hbm>>
      %dma_start3A_81 = arith.constant 0 : i32
      %dma_start3A_82 = tpu.memref_slice %arg2[%add3A_14, %dma_start3A_81] : memref<32x8192xf32, #tpu.memory_space<hbm>> -> memref<1x8192xf32, #tpu.memory_space<hbm>>
      %dma_start3A_83 = tpu.memref_squeeze %dma_start3A_82 : memref<1x8192xf32, #tpu.memory_space<hbm>> -> memref<8192xf32, #tpu.memory_space<hbm>>
      tpu.enqueue_dma source(%dma_start3A_83 : memref<8192xf32, #tpu.memory_space<hbm>>) target(%arg5 : memref<8192xf32, #tpu.memory_space<vmem>>) target_semaphore(%run_scoped3A : memref<!tpu.dma_semaphore, #tpu.memory_space<semaphore_mem>>)
      %dma_wait3A = arith.constant 0 : i32
      %dma_wait3A_84 = tpu.memref_slice %arg2[%add3A_14, %dma_wait3A] : memref<32x8192xf32, #tpu.memory_space<hbm>> -> memref<1x8192xf32, #tpu.memory_space<hbm>>
      %dma_wait3A_85 = tpu.memref_squeeze %dma_wait3A_84 : memref<1x8192xf32, #tpu.memory_space<hbm>> -> memref<8192xf32, #tpu.memory_space<hbm>>
      %dma_wait3A_86 = arith.constant 0 : i32
      %dma_wait3A_87 = tpu.memref_slice %arg2[%add3A_14, %dma_wait3A_86] : memref<32x8192xf32, #tpu.memory_space<hbm>> -> memref<1x8192xf32, #tpu.memory_space<hbm>>
      %dma_wait3A_88 = tpu.memref_squeeze %dma_wait3A_87 : memref<1x8192xf32, #tpu.memory_space<hbm>> -> memref<8192xf32, #tpu.memory_space<hbm>>
      tpu.wait_dma2 semaphore(%run_scoped3A : memref<!tpu.dma_semaphore, #tpu.memory_space<semaphore_mem>>) src(%dma_wait3A_88 : memref<8192xf32, #tpu.memory_space<hbm>>) dst(%arg5 : memref<8192xf32, #tpu.memory_space<vmem>>)
      tpu.yield
    }) : () -> ()
    "tpu.region"() ({
      %run_scoped3A = tpu.sem_alloc : memref<!tpu.dma_semaphore, #tpu.memory_space<semaphore_mem>>
      %dma_start3A = arith.constant 0 : i32
      %dma_start3A_79 = tpu.memref_slice %arg3[%add3A_14, %dma_start3A] : memref<32x8192xi32, #tpu.memory_space<hbm>> -> memref<1x8192xi32, #tpu.memory_space<hbm>>
      %dma_start3A_80 = tpu.memref_squeeze %dma_start3A_79 : memref<1x8192xi32, #tpu.memory_space<hbm>> -> memref<8192xi32, #tpu.memory_space<hbm>>
      %dma_start3A_81 = arith.constant 0 : i32
      %dma_start3A_82 = tpu.memref_slice %arg3[%add3A_14, %dma_start3A_81] : memref<32x8192xi32, #tpu.memory_space<hbm>> -> memref<1x8192xi32, #tpu.memory_space<hbm>>
      %dma_start3A_83 = tpu.memref_squeeze %dma_start3A_82 : memref<1x8192xi32, #tpu.memory_space<hbm>> -> memref<8192xi32, #tpu.memory_space<hbm>>
      tpu.enqueue_dma source(%dma_start3A_83 : memref<8192xi32, #tpu.memory_space<hbm>>) target(%arg6 : memref<8192xi32, #tpu.memory_space<vmem>>) target_semaphore(%run_scoped3A : memref<!tpu.dma_semaphore, #tpu.memory_space<semaphore_mem>>)
      %dma_wait3A = arith.constant 0 : i32
      %dma_wait3A_84 = tpu.memref_slice %arg3[%add3A_14, %dma_wait3A] : memref<32x8192xi32, #tpu.memory_space<hbm>> -> memref<1x8192xi32, #tpu.memory_space<hbm>>
      %dma_wait3A_85 = tpu.memref_squeeze %dma_wait3A_84 : memref<1x8192xi32, #tpu.memory_space<hbm>> -> memref<8192xi32, #tpu.memory_space<hbm>>
      %dma_wait3A_86 = arith.constant 0 : i32
      %dma_wait3A_87 = tpu.memref_slice %arg3[%add3A_14, %dma_wait3A_86] : memref<32x8192xi32, #tpu.memory_space<hbm>> -> memref<1x8192xi32, #tpu.memory_space<hbm>>
      %dma_wait3A_88 = tpu.memref_squeeze %dma_wait3A_87 : memref<1x8192xi32, #tpu.memory_space<hbm>> -> memref<8192xi32, #tpu.memory_space<hbm>>
      tpu.wait_dma2 semaphore(%run_scoped3A : memref<!tpu.dma_semaphore, #tpu.memory_space<semaphore_mem>>) src(%dma_wait3A_88 : memref<8192xi32, #tpu.memory_space<hbm>>) dst(%arg6 : memref<8192xi32, #tpu.memory_space<vmem>>)
      tpu.yield
    }) : () -> ()
    %scan3A_66 = arith.constant 0 : i32
    %scan3A_67 = arith.constant 0 : i32
    %scan3A_68 = arith.constant 512 : i32
    %scan3A_69 = arith.addi %scan3A_67, %scan3A_68 : i32
    %scan3A_70 = arith.constant 1 : i32
    scf.for %scan3A_79 = %scan3A_67 to %scan3A_69 step %scan3A_70  : i32 {
      %mul3A_80 = arith.constant 16 : i32
      %mul3A_81 = arith.muli %scan3A_79, %mul3A_80 : i32
      %get3A = arith.index_cast %mul3A_81 : i32 to index
      %get3A_82 = tpu.vector_load %arg5[%get3A] {strides = array<i32>} : memref<8192xf32, #tpu.memory_space<vmem>>, vector<16xf32>,
      %convert_element_type3A = arith.fptosi %get3A_82 : vector<16xf32> to vector<16xi32>
      %mul3A_83 = arith.constant 4 : i32
      %mul3A_84 = arith.muli %mul3A_83, %add3A_65 : i32
      %sub3A_85 = vector.broadcast %mul3A_84 : i32 to vector<16xi32>
      %sub3A_86 = arith.subi %convert_element_type3A, %sub3A_85 : vector<16xi32>
      %mul3A_87 = arith.constant 16 : i32
      %mul3A_88 = arith.muli %scan3A_79, %mul3A_87 : i32
      %get3A_89 = arith.index_cast %mul3A_88 : i32 to index
      %get3A_90 = tpu.vector_load %arg6[%get3A_89] {strides = array<i32>} : memref<8192xi32, #tpu.memory_space<vmem>>, vector<16xi32>,
      %mul3A_91 = arith.constant 8 : i32
      %mul3A_92 = vector.broadcast %mul3A_91 : i32 to vector<16xi32>
      %mul3A_93 = arith.muli %get3A_90, %mul3A_92 : vector<16xi32>
      %add3A_94 = arith.addi %mul3A_93, %sub3A_86 : vector<16xi32>
      %add3A_95 = arith.addi %add3A_94, %mul3A_3 : vector<16xi32>
      tpu.vector_store_idx %arg7[%add3A_95], %broadcast_in_dim3A_4 {add = true} : memref<2816xf32, #tpu.memory_space<vmem>>[vector<16xi32>], vector<16xf32>,
    }
    %scan3A_71 = arith.constant 512 : i32
    %scan3A_72 = arith.constant 0 : i32
    %scan3A_73 = arith.constant 0 : i32
    %scan3A_74 = arith.constant 11 : i32
    %scan3A_75 = arith.addi %scan3A_73, %scan3A_74 : i32
    %scan3A_76 = arith.constant 1 : i32
    scf.for %scan3A_79 = %scan3A_73 to %scan3A_75 step %scan3A_76  : i32 {
      %broadcast_in_dim3A_80 = arith.constant 0.000000e+00 : f32
      %broadcast_in_dim3A_81 = vector.broadcast %broadcast_in_dim3A_80 : f32 to vector<16xf32>
      %mul3A_82 = arith.constant 16 : i32
      %mul3A_83 = arith.muli %scan3A_79, %mul3A_82 : i32
      %add3A_84 = arith.constant 0 : i32
      %add3A_85 = arith.addi %add3A_84, %mul3A_83 : i32
      %get3A = arith.index_cast %add3A_85 : i32 to index
      %get3A_86 = tpu.vector_load %arg7[%get3A] {strides = array<i32>} : memref<2816xf32, #tpu.memory_space<vmem>>, vector<16xf32>,
      %add3A_87 = arith.addf %broadcast_in_dim3A_81, %get3A_86 : vector<16xf32>
      %broadcast_in_dim3A_88 = arith.constant 0.000000e+00 : f32
      %broadcast_in_dim3A_89 = vector.broadcast %broadcast_in_dim3A_88 : f32 to vector<16xf32>
      %mul3A_90 = arith.constant 16 : i32
      %mul3A_91 = arith.muli %scan3A_79, %mul3A_90 : i32
      %add3A_92 = arith.constant 0 : i32
      %add3A_93 = arith.addi %add3A_92, %mul3A_91 : i32
      %swap3A = arith.index_cast %add3A_93 : i32 to index
      %swap3A_94 = tpu.vector_load %arg7[%swap3A] {strides = array<i32>} : memref<2816xf32, #tpu.memory_space<vmem>>, vector<16xf32>,
      tpu.vector_store %arg7[%swap3A], %broadcast_in_dim3A_89 {strides = array<i32>} : memref<2816xf32, #tpu.memory_space<vmem>>, vector<16xf32>,
      %mul3A_95 = arith.constant 16 : i32
      %mul3A_96 = arith.muli %scan3A_79, %mul3A_95 : i32
      %add3A_97 = arith.constant 176 : i32
      %add3A_98 = arith.addi %add3A_97, %mul3A_96 : i32
      %get3A_99 = arith.index_cast %add3A_98 : i32 to index
      %get3A_100 = tpu.vector_load %arg7[%get3A_99] {strides = array<i32>} : memref<2816xf32, #tpu.memory_space<vmem>>, vector<16xf32>,
      %add3A_101 = arith.addf %add3A_87, %get3A_100 : vector<16xf32>
      %broadcast_in_dim3A_102 = arith.constant 0.000000e+00 : f32
      %broadcast_in_dim3A_103 = vector.broadcast %broadcast_in_dim3A_102 : f32 to vector<16xf32>
      %mul3A_104 = arith.constant 16 : i32
      %mul3A_105 = arith.muli %scan3A_79, %mul3A_104 : i32
      %add3A_106 = arith.constant 176 : i32
      %add3A_107 = arith.addi %add3A_106, %mul3A_105 : i32
      %swap3A_108 = arith.index_cast %add3A_107 : i32 to index
      %swap3A_109 = tpu.vector_load %arg7[%swap3A_108] {strides = array<i32>} : memref<2816xf32, #tpu.memory_space<vmem>>, vector<16xf32>,
      tpu.vector_store %arg7[%swap3A_108], %broadcast_in_dim3A_103 {strides = array<i32>} : memref<2816xf32, #tpu.memory_space<vmem>>, vector<16xf32>,
      %mul3A_110 = arith.constant 16 : i32
      %mul3A_111 = arith.muli %scan3A_79, %mul3A_110 : i32
      %add3A_112 = arith.constant 352 : i32
      %add3A_113 = arith.addi %add3A_112, %mul3A_111 : i32
      %get3A_114 = arith.index_cast %add3A_113 : i32 to index
      %get3A_115 = tpu.vector_load %arg7[%get3A_114] {strides = array<i32>} : memref<2816xf32, #tpu.memory_space<vmem>>, vector<16xf32>,
      %add3A_116 = arith.addf %add3A_101, %get3A_115 : vector<16xf32>
      %broadcast_in_dim3A_117 = arith.constant 0.000000e+00 : f32
      %broadcast_in_dim3A_118 = vector.broadcast %broadcast_in_dim3A_117 : f32 to vector<16xf32>
      %mul3A_119 = arith.constant 16 : i32
      %mul3A_120 = arith.muli %scan3A_79, %mul3A_119 : i32
      %add3A_121 = arith.constant 352 : i32
      %add3A_122 = arith.addi %add3A_121, %mul3A_120 : i32
      %swap3A_123 = arith.index_cast %add3A_122 : i32 to index
      %swap3A_124 = tpu.vector_load %arg7[%swap3A_123] {strides = array<i32>} : memref<2816xf32, #tpu.memory_space<vmem>>, vector<16xf32>,
      tpu.vector_store %arg7[%swap3A_123], %broadcast_in_dim3A_118 {strides = array<i32>} : memref<2816xf32, #tpu.memory_space<vmem>>, vector<16xf32>,
      %mul3A_125 = arith.constant 16 : i32
      %mul3A_126 = arith.muli %scan3A_79, %mul3A_125 : i32
      %add3A_127 = arith.constant 528 : i32
      %add3A_128 = arith.addi %add3A_127, %mul3A_126 : i32
      %get3A_129 = arith.index_cast %add3A_128 : i32 to index
      %get3A_130 = tpu.vector_load %arg7[%get3A_129] {strides = array<i32>} : memref<2816xf32, #tpu.memory_space<vmem>>, vector<16xf32>,
      %add3A_131 = arith.addf %add3A_116, %get3A_130 : vector<16xf32>
      %broadcast_in_dim3A_132 = arith.constant 0.000000e+00 : f32
      %broadcast_in_dim3A_133 = vector.broadcast %broadcast_in_dim3A_132 : f32 to vector<16xf32>
      %mul3A_134 = arith.constant 16 : i32
      %mul3A_135 = arith.muli %scan3A_79, %mul3A_134 : i32
      %add3A_136 = arith.constant 528 : i32
      %add3A_137 = arith.addi %add3A_136, %mul3A_135 : i32
      %swap3A_138 = arith.index_cast %add3A_137 : i32 to index
      %swap3A_139 = tpu.vector_load %arg7[%swap3A_138] {strides = array<i32>} : memref<2816xf32, #tpu.memory_space<vmem>>, vector<16xf32>,
      tpu.vector_store %arg7[%swap3A_138], %broadcast_in_dim3A_133 {strides = array<i32>} : memref<2816xf32, #tpu.memory_space<vmem>>, vector<16xf32>,
      %mul3A_140 = arith.constant 16 : i32
      %mul3A_141 = arith.muli %scan3A_79, %mul3A_140 : i32
      %add3A_142 = arith.constant 704 : i32
      %add3A_143 = arith.addi %add3A_142, %mul3A_141 : i32
      %get3A_144 = arith.index_cast %add3A_143 : i32 to index
      %get3A_145 = tpu.vector_load %arg7[%get3A_144] {strides = array<i32>} : memref<2816xf32, #tpu.memory_space<vmem>>, vector<16xf32>,
      %add3A_146 = arith.addf %add3A_131, %get3A_145 : vector<16xf32>
      %broadcast_in_dim3A_147 = arith.constant 0.000000e+00 : f32
      %broadcast_in_dim3A_148 = vector.broadcast %broadcast_in_dim3A_147 : f32 to vector<16xf32>
      %mul3A_149 = arith.constant 16 : i32
      %mul3A_150 = arith.muli %scan3A_79, %mul3A_149 : i32
      %add3A_151 = arith.constant 704 : i32
      %add3A_152 = arith.addi %add3A_151, %mul3A_150 : i32
      %swap3A_153 = arith.index_cast %add3A_152 : i32 to index
      %swap3A_154 = tpu.vector_load %arg7[%swap3A_153] {strides = array<i32>} : memref<2816xf32, #tpu.memory_space<vmem>>, vector<16xf32>,
      tpu.vector_store %arg7[%swap3A_153], %broadcast_in_dim3A_148 {strides = array<i32>} : memref<2816xf32, #tpu.memory_space<vmem>>, vector<16xf32>,
      %mul3A_155 = arith.constant 16 : i32
      %mul3A_156 = arith.muli %scan3A_79, %mul3A_155 : i32
      %add3A_157 = arith.constant 880 : i32
      %add3A_158 = arith.addi %add3A_157, %mul3A_156 : i32
      %get3A_159 = arith.index_cast %add3A_158 : i32 to index
      %get3A_160 = tpu.vector_load %arg7[%get3A_159] {strides = array<i32>} : memref<2816xf32, #tpu.memory_space<vmem>>, vector<16xf32>,
      %add3A_161 = arith.addf %add3A_146, %get3A_160 : vector<16xf32>
      %broadcast_in_dim3A_162 = arith.constant 0.000000e+00 : f32
      %broadcast_in_dim3A_163 = vector.broadcast %broadcast_in_dim3A_162 : f32 to vector<16xf32>
      %mul3A_164 = arith.constant 16 : i32
      %mul3A_165 = arith.muli %scan3A_79, %mul3A_164 : i32
      %add3A_166 = arith.constant 880 : i32
      %add3A_167 = arith.addi %add3A_166, %mul3A_165 : i32
      %swap3A_168 = arith.index_cast %add3A_167 : i32 to index
      %swap3A_169 = tpu.vector_load %arg7[%swap3A_168] {strides = array<i32>} : memref<2816xf32, #tpu.memory_space<vmem>>, vector<16xf32>,
      tpu.vector_store %arg7[%swap3A_168], %broadcast_in_dim3A_163 {strides = array<i32>} : memref<2816xf32, #tpu.memory_space<vmem>>, vector<16xf32>,
      %mul3A_170 = arith.constant 16 : i32
      %mul3A_171 = arith.muli %scan3A_79, %mul3A_170 : i32
      %add3A_172 = arith.constant 1056 : i32
      %add3A_173 = arith.addi %add3A_172, %mul3A_171 : i32
      %get3A_174 = arith.index_cast %add3A_173 : i32 to index
      %get3A_175 = tpu.vector_load %arg7[%get3A_174] {strides = array<i32>} : memref<2816xf32, #tpu.memory_space<vmem>>, vector<16xf32>,
      %add3A_176 = arith.addf %add3A_161, %get3A_175 : vector<16xf32>
      %broadcast_in_dim3A_177 = arith.constant 0.000000e+00 : f32
      %broadcast_in_dim3A_178 = vector.broadcast %broadcast_in_dim3A_177 : f32 to vector<16xf32>
      %mul3A_179 = arith.constant 16 : i32
      %mul3A_180 = arith.muli %scan3A_79, %mul3A_179 : i32
      %add3A_181 = arith.constant 1056 : i32
      %add3A_182 = arith.addi %add3A_181, %mul3A_180 : i32
      %swap3A_183 = arith.index_cast %add3A_182 : i32 to index
      %swap3A_184 = tpu.vector_load %arg7[%swap3A_183] {strides = array<i32>} : memref<2816xf32, #tpu.memory_space<vmem>>, vector<16xf32>,
      tpu.vector_store %arg7[%swap3A_183], %broadcast_in_dim3A_178 {strides = array<i32>} : memref<2816xf32, #tpu.memory_space<vmem>>, vector<16xf32>,
      %mul3A_185 = arith.constant 16 : i32
      %mul3A_186 = arith.muli %scan3A_79, %mul3A_185 : i32
      %add3A_187 = arith.constant 1232 : i32
      %add3A_188 = arith.addi %add3A_187, %mul3A_186 : i32
      %get3A_189 = arith.index_cast %add3A_188 : i32 to index
      %get3A_190 = tpu.vector_load %arg7[%get3A_189] {strides = array<i32>} : memref<2816xf32, #tpu.memory_space<vmem>>, vector<16xf32>,
      %add3A_191 = arith.addf %add3A_176, %get3A_190 : vector<16xf32>
      %broadcast_in_dim3A_192 = arith.constant 0.000000e+00 : f32
      %broadcast_in_dim3A_193 = vector.broadcast %broadcast_in_dim3A_192 : f32 to vector<16xf32>
      %mul3A_194 = arith.constant 16 : i32
      %mul3A_195 = arith.muli %scan3A_79, %mul3A_194 : i32
      %add3A_196 = arith.constant 1232 : i32
      %add3A_197 = arith.addi %add3A_196, %mul3A_195 : i32
      %swap3A_198 = arith.index_cast %add3A_197 : i32 to index
      %swap3A_199 = tpu.vector_load %arg7[%swap3A_198] {strides = array<i32>} : memref<2816xf32, #tpu.memory_space<vmem>>, vector<16xf32>,
      tpu.vector_store %arg7[%swap3A_198], %broadcast_in_dim3A_193 {strides = array<i32>} : memref<2816xf32, #tpu.memory_space<vmem>>, vector<16xf32>,
      %mul3A_200 = arith.constant 16 : i32
      %mul3A_201 = arith.muli %scan3A_79, %mul3A_200 : i32
      %add3A_202 = arith.constant 1408 : i32
      %add3A_203 = arith.addi %add3A_202, %mul3A_201 : i32
      %get3A_204 = arith.index_cast %add3A_203 : i32 to index
      %get3A_205 = tpu.vector_load %arg7[%get3A_204] {strides = array<i32>} : memref<2816xf32, #tpu.memory_space<vmem>>, vector<16xf32>,
      %add3A_206 = arith.addf %add3A_191, %get3A_205 : vector<16xf32>
      %broadcast_in_dim3A_207 = arith.constant 0.000000e+00 : f32
      %broadcast_in_dim3A_208 = vector.broadcast %broadcast_in_dim3A_207 : f32 to vector<16xf32>
      %mul3A_209 = arith.constant 16 : i32
      %mul3A_210 = arith.muli %scan3A_79, %mul3A_209 : i32
      %add3A_211 = arith.constant 1408 : i32
      %add3A_212 = arith.addi %add3A_211, %mul3A_210 : i32
      %swap3A_213 = arith.index_cast %add3A_212 : i32 to index
      %swap3A_214 = tpu.vector_load %arg7[%swap3A_213] {strides = array<i32>} : memref<2816xf32, #tpu.memory_space<vmem>>, vector<16xf32>,
      tpu.vector_store %arg7[%swap3A_213], %broadcast_in_dim3A_208 {strides = array<i32>} : memref<2816xf32, #tpu.memory_space<vmem>>, vector<16xf32>,
      %mul3A_215 = arith.constant 16 : i32
      %mul3A_216 = arith.muli %scan3A_79, %mul3A_215 : i32
      %add3A_217 = arith.constant 1584 : i32
      %add3A_218 = arith.addi %add3A_217, %mul3A_216 : i32
      %get3A_219 = arith.index_cast %add3A_218 : i32 to index
      %get3A_220 = tpu.vector_load %arg7[%get3A_219] {strides = array<i32>} : memref<2816xf32, #tpu.memory_space<vmem>>, vector<16xf32>,
      %add3A_221 = arith.addf %add3A_206, %get3A_220 : vector<16xf32>
      %broadcast_in_dim3A_222 = arith.constant 0.000000e+00 : f32
      %broadcast_in_dim3A_223 = vector.broadcast %broadcast_in_dim3A_222 : f32 to vector<16xf32>
      %mul3A_224 = arith.constant 16 : i32
      %mul3A_225 = arith.muli %scan3A_79, %mul3A_224 : i32
      %add3A_226 = arith.constant 1584 : i32
      %add3A_227 = arith.addi %add3A_226, %mul3A_225 : i32
      %swap3A_228 = arith.index_cast %add3A_227 : i32 to index
      %swap3A_229 = tpu.vector_load %arg7[%swap3A_228] {strides = array<i32>} : memref<2816xf32, #tpu.memory_space<vmem>>, vector<16xf32>,
      tpu.vector_store %arg7[%swap3A_228], %broadcast_in_dim3A_223 {strides = array<i32>} : memref<2816xf32, #tpu.memory_space<vmem>>, vector<16xf32>,
      %mul3A_230 = arith.constant 16 : i32
      %mul3A_231 = arith.muli %scan3A_79, %mul3A_230 : i32
      %add3A_232 = arith.constant 1760 : i32
      %add3A_233 = arith.addi %add3A_232, %mul3A_231 : i32
      %get3A_234 = arith.index_cast %add3A_233 : i32 to index
      %get3A_235 = tpu.vector_load %arg7[%get3A_234] {strides = array<i32>} : memref<2816xf32, #tpu.memory_space<vmem>>, vector<16xf32>,
      %add3A_236 = arith.addf %add3A_221, %get3A_235 : vector<16xf32>
      %broadcast_in_dim3A_237 = arith.constant 0.000000e+00 : f32
      %broadcast_in_dim3A_238 = vector.broadcast %broadcast_in_dim3A_237 : f32 to vector<16xf32>
      %mul3A_239 = arith.constant 16 : i32
      %mul3A_240 = arith.muli %scan3A_79, %mul3A_239 : i32
      %add3A_241 = arith.constant 1760 : i32
      %add3A_242 = arith.addi %add3A_241, %mul3A_240 : i32
      %swap3A_243 = arith.index_cast %add3A_242 : i32 to index
      %swap3A_244 = tpu.vector_load %arg7[%swap3A_243] {strides = array<i32>} : memref<2816xf32, #tpu.memory_space<vmem>>, vector<16xf32>,
      tpu.vector_store %arg7[%swap3A_243], %broadcast_in_dim3A_238 {strides = array<i32>} : memref<2816xf32, #tpu.memory_space<vmem>>, vector<16xf32>,
      %mul3A_245 = arith.constant 16 : i32
      %mul3A_246 = arith.muli %scan3A_79, %mul3A_245 : i32
      %add3A_247 = arith.constant 1936 : i32
      %add3A_248 = arith.addi %add3A_247, %mul3A_246 : i32
      %get3A_249 = arith.index_cast %add3A_248 : i32 to index
      %get3A_250 = tpu.vector_load %arg7[%get3A_249] {strides = array<i32>} : memref<2816xf32, #tpu.memory_space<vmem>>, vector<16xf32>,
      %add3A_251 = arith.addf %add3A_236, %get3A_250 : vector<16xf32>
      %broadcast_in_dim3A_252 = arith.constant 0.000000e+00 : f32
      %broadcast_in_dim3A_253 = vector.broadcast %broadcast_in_dim3A_252 : f32 to vector<16xf32>
      %mul3A_254 = arith.constant 16 : i32
      %mul3A_255 = arith.muli %scan3A_79, %mul3A_254 : i32
      %add3A_256 = arith.constant 1936 : i32
      %add3A_257 = arith.addi %add3A_256, %mul3A_255 : i32
      %swap3A_258 = arith.index_cast %add3A_257 : i32 to index
      %swap3A_259 = tpu.vector_load %arg7[%swap3A_258] {strides = array<i32>} : memref<2816xf32, #tpu.memory_space<vmem>>, vector<16xf32>,
      tpu.vector_store %arg7[%swap3A_258], %broadcast_in_dim3A_253 {strides = array<i32>} : memref<2816xf32, #tpu.memory_space<vmem>>, vector<16xf32>,
      %mul3A_260 = arith.constant 16 : i32
      %mul3A_261 = arith.muli %scan3A_79, %mul3A_260 : i32
      %add3A_262 = arith.constant 2112 : i32
      %add3A_263 = arith.addi %add3A_262, %mul3A_261 : i32
      %get3A_264 = arith.index_cast %add3A_263 : i32 to index
      %get3A_265 = tpu.vector_load %arg7[%get3A_264] {strides = array<i32>} : memref<2816xf32, #tpu.memory_space<vmem>>, vector<16xf32>,
      %add3A_266 = arith.addf %add3A_251, %get3A_265 : vector<16xf32>
      %broadcast_in_dim3A_267 = arith.constant 0.000000e+00 : f32
      %broadcast_in_dim3A_268 = vector.broadcast %broadcast_in_dim3A_267 : f32 to vector<16xf32>
      %mul3A_269 = arith.constant 16 : i32
      %mul3A_270 = arith.muli %scan3A_79, %mul3A_269 : i32
      %add3A_271 = arith.constant 2112 : i32
      %add3A_272 = arith.addi %add3A_271, %mul3A_270 : i32
      %swap3A_273 = arith.index_cast %add3A_272 : i32 to index
      %swap3A_274 = tpu.vector_load %arg7[%swap3A_273] {strides = array<i32>} : memref<2816xf32, #tpu.memory_space<vmem>>, vector<16xf32>,
      tpu.vector_store %arg7[%swap3A_273], %broadcast_in_dim3A_268 {strides = array<i32>} : memref<2816xf32, #tpu.memory_space<vmem>>, vector<16xf32>,
      %mul3A_275 = arith.constant 16 : i32
      %mul3A_276 = arith.muli %scan3A_79, %mul3A_275 : i32
      %add3A_277 = arith.constant 2288 : i32
      %add3A_278 = arith.addi %add3A_277, %mul3A_276 : i32
      %get3A_279 = arith.index_cast %add3A_278 : i32 to index
      %get3A_280 = tpu.vector_load %arg7[%get3A_279] {strides = array<i32>} : memref<2816xf32, #tpu.memory_space<vmem>>, vector<16xf32>,
      %add3A_281 = arith.addf %add3A_266, %get3A_280 : vector<16xf32>
      %broadcast_in_dim3A_282 = arith.constant 0.000000e+00 : f32
      %broadcast_in_dim3A_283 = vector.broadcast %broadcast_in_dim3A_282 : f32 to vector<16xf32>
      %mul3A_284 = arith.constant 16 : i32
      %mul3A_285 = arith.muli %scan3A_79, %mul3A_284 : i32
      %add3A_286 = arith.constant 2288 : i32
      %add3A_287 = arith.addi %add3A_286, %mul3A_285 : i32
      %swap3A_288 = arith.index_cast %add3A_287 : i32 to index
      %swap3A_289 = tpu.vector_load %arg7[%swap3A_288] {strides = array<i32>} : memref<2816xf32, #tpu.memory_space<vmem>>, vector<16xf32>,
      tpu.vector_store %arg7[%swap3A_288], %broadcast_in_dim3A_283 {strides = array<i32>} : memref<2816xf32, #tpu.memory_space<vmem>>, vector<16xf32>,
      %mul3A_290 = arith.constant 16 : i32
      %mul3A_291 = arith.muli %scan3A_79, %mul3A_290 : i32
      %add3A_292 = arith.constant 2464 : i32
      %add3A_293 = arith.addi %add3A_292, %mul3A_291 : i32
      %get3A_294 = arith.index_cast %add3A_293 : i32 to index
      %get3A_295 = tpu.vector_load %arg7[%get3A_294] {strides = array<i32>} : memref<2816xf32, #tpu.memory_space<vmem>>, vector<16xf32>,
      %add3A_296 = arith.addf %add3A_281, %get3A_295 : vector<16xf32>
      %broadcast_in_dim3A_297 = arith.constant 0.000000e+00 : f32
      %broadcast_in_dim3A_298 = vector.broadcast %broadcast_in_dim3A_297 : f32 to vector<16xf32>
      %mul3A_299 = arith.constant 16 : i32
      %mul3A_300 = arith.muli %scan3A_79, %mul3A_299 : i32
      %add3A_301 = arith.constant 2464 : i32
      %add3A_302 = arith.addi %add3A_301, %mul3A_300 : i32
      %swap3A_303 = arith.index_cast %add3A_302 : i32 to index
      %swap3A_304 = tpu.vector_load %arg7[%swap3A_303] {strides = array<i32>} : memref<2816xf32, #tpu.memory_space<vmem>>, vector<16xf32>,
      tpu.vector_store %arg7[%swap3A_303], %broadcast_in_dim3A_298 {strides = array<i32>} : memref<2816xf32, #tpu.memory_space<vmem>>, vector<16xf32>,
      %mul3A_305 = arith.constant 16 : i32
      %mul3A_306 = arith.muli %scan3A_79, %mul3A_305 : i32
      %add3A_307 = arith.constant 2640 : i32
      %add3A_308 = arith.addi %add3A_307, %mul3A_306 : i32
      %get3A_309 = arith.index_cast %add3A_308 : i32 to index
      %get3A_310 = tpu.vector_load %arg7[%get3A_309] {strides = array<i32>} : memref<2816xf32, #tpu.memory_space<vmem>>, vector<16xf32>,
      %add3A_311 = arith.addf %add3A_296, %get3A_310 : vector<16xf32>
      %broadcast_in_dim3A_312 = arith.constant 0.000000e+00 : f32
      %broadcast_in_dim3A_313 = vector.broadcast %broadcast_in_dim3A_312 : f32 to vector<16xf32>
      %mul3A_314 = arith.constant 16 : i32
      %mul3A_315 = arith.muli %scan3A_79, %mul3A_314 : i32
      %add3A_316 = arith.constant 2640 : i32
      %add3A_317 = arith.addi %add3A_316, %mul3A_315 : i32
      %swap3A_318 = arith.index_cast %add3A_317 : i32 to index
      %swap3A_319 = tpu.vector_load %arg7[%swap3A_318] {strides = array<i32>} : memref<2816xf32, #tpu.memory_space<vmem>>, vector<16xf32>,
      tpu.vector_store %arg7[%swap3A_318], %broadcast_in_dim3A_313 {strides = array<i32>} : memref<2816xf32, #tpu.memory_space<vmem>>, vector<16xf32>,
      %mul3A_320 = arith.constant 16 : i32
      %mul3A_321 = arith.muli %scan3A_79, %mul3A_320 : i32
      %swap3A_322 = arith.index_cast %mul3A_321 : i32 to index
      %swap3A_323 = tpu.vector_load %arg8[%swap3A_322] {strides = array<i32>} : memref<176xf32, #tpu.memory_space<vmem>>, vector<16xf32>,
      tpu.vector_store %arg8[%swap3A_322], %add3A_311 {strides = array<i32>} : memref<176xf32, #tpu.memory_space<vmem>>, vector<16xf32>,
    }
    %scan3A_77 = arith.constant 11 : i32
    "tpu.region"() ({
      %run_scoped3A = tpu.sem_alloc : memref<!tpu.dma_semaphore, #tpu.memory_space<semaphore_mem>>
      %dma_start3A = arith.constant 0 : i32
      %dma_start3A_79 = tpu.memref_slice %arg4[%add3A_14, %dma_start3A] : memref<32x176xf32, #tpu.memory_space<hbm>> -> memref<1x176xf32, #tpu.memory_space<hbm>>
      %dma_start3A_80 = tpu.memref_squeeze %dma_start3A_79 : memref<1x176xf32, #tpu.memory_space<hbm>> -> memref<176xf32, #tpu.memory_space<hbm>>
      %dma_start3A_81 = arith.constant 0 : i32
      %dma_start3A_82 = tpu.memref_slice %arg4[%add3A_14, %dma_start3A_81] : memref<32x176xf32, #tpu.memory_space<hbm>> -> memref<1x176xf32, #tpu.memory_space<hbm>>
      %dma_start3A_83 = tpu.memref_squeeze %dma_start3A_82 : memref<1x176xf32, #tpu.memory_space<hbm>> -> memref<176xf32, #tpu.memory_space<hbm>>
      tpu.enqueue_dma source(%arg8 : memref<176xf32, #tpu.memory_space<vmem>>) target(%dma_start3A_83 : memref<176xf32, #tpu.memory_space<hbm>>) target_semaphore(%run_scoped3A : memref<!tpu.dma_semaphore, #tpu.memory_space<semaphore_mem>>)
      %dma_wait3A = arith.constant 0 : i32
      %dma_wait3A_84 = tpu.memref_slice %arg4[%add3A_14, %dma_wait3A] : memref<32x176xf32, #tpu.memory_space<hbm>> -> memref<1x176xf32, #tpu.memory_space<hbm>>
      %dma_wait3A_85 = tpu.memref_squeeze %dma_wait3A_84 : memref<1x176xf32, #tpu.memory_space<hbm>> -> memref<176xf32, #tpu.memory_space<hbm>>
      %dma_wait3A_86 = arith.constant 0 : i32
      %dma_wait3A_87 = tpu.memref_slice %arg4[%add3A_14, %dma_wait3A_86] : memref<32x176xf32, #tpu.memory_space<hbm>> -> memref<1x176xf32, #tpu.memory_space<hbm>>
      %dma_wait3A_88 = tpu.memref_squeeze %dma_wait3A_87 : memref<1x176xf32, #tpu.memory_space<hbm>> -> memref<176xf32, #tpu.memory_space<hbm>>
      tpu.wait_dma2 semaphore(%run_scoped3A : memref<!tpu.dma_semaphore, #tpu.memory_space<semaphore_mem>>) src(%arg8 : memref<176xf32, #tpu.memory_space<vmem>>) dst(%dma_wait3A_88 : memref<176xf32, #tpu.memory_space<hbm>>)
      tpu.yield
    }) : () -> ()
    %scan3A_78 = arith.constant 1 : i32
    return
  }
}

#map = affine_map<(d0, d1) -> (0, 0)>
module attributes {stable_mosaic.version = 14 : i64} {
  func.func @_sc_hist(%arg0: i32, %arg1: i32, %arg2: memref<32x8192xf32, #tpu.memory_space<hbm>>, %arg3: memref<32x8192xi32, #tpu.memory_space<hbm>>, %arg4: memref<32x176xf32, #tpu.memory_space<hbm>>, %arg5: memref<8192xf32, #tpu.memory_space<vmem>>, %arg6: memref<8192xi32, #tpu.memory_space<vmem>>, %arg7: memref<2816xf32, #tpu.memory_space<vmem>>, %arg8: memref<176xf32, #tpu.memory_space<vmem>>) attributes {dimension_semantics = [#tpu.dimension_semantics<core_parallel>, #tpu.dimension_semantics<subcore_parallel>], iteration_bounds = array<i64: 2, 16>, scalar_prefetch = 0 : i64, scratch_operands = 4 : i64, tpu.core_type = #tpu.core_type<sc_vector_subcore>, window_params = [{transform_indices = #map}, {transform_indices = #map}, {transform_indices = #map}]} {
    %mul3A = arith.constant 2 : i32
    %mul3A_0 = arith.muli %arg1, %mul3A : i32
    %add3A = arith.addi %mul3A_0, %arg0 : i32
    %iota3A = tpu.iota {dimensions = array<i32: 0>} : vector<16xi32>
    %mul3A_1 = arith.constant 176 : i32
    %mul3A_2 = vector.broadcast %mul3A_1 : i32 to vector<16xi32>
    %mul3A_3 = arith.muli %iota3A, %mul3A_2 : vector<16xi32>
    %broadcast_in_dim3A = arith.constant 1.000000e+00 : f32
    %broadcast_in_dim3A_4 = vector.broadcast %broadcast_in_dim3A : f32 to vector<16xf32>
    %scan3A = arith.constant 0 : i32
    %scan3A_5 = arith.constant 0 : i32
    %scan3A_6 = arith.constant 176 : i32
    %scan3A_7 = arith.addi %scan3A_5, %scan3A_6 : i32
    %scan3A_8 = arith.constant 1 : i32
    scf.for %scan3A_79 = %scan3A_5 to %scan3A_7 step %scan3A_8  : i32 {
      %broadcast_in_dim3A_80 = arith.constant 0.000000e+00 : f32
      %broadcast_in_dim3A_81 = vector.broadcast %broadcast_in_dim3A_80 : f32 to vector<16xf32>
      %mul3A_82 = arith.constant 16 : i32
      %mul3A_83 = arith.muli %scan3A_79, %mul3A_82 : i32
      %swap3A = arith.index_cast %mul3A_83 : i32 to index
      %swap3A_84 = tpu.vector_load %arg7[%swap3A] {strides = array<i32>} : memref<2816xf32, #tpu.memory_space<vmem>>, vector<16xf32>,
      tpu.vector_store %arg7[%swap3A], %broadcast_in_dim3A_81 {strides = array<i32>} : memref<2816xf32, #tpu.memory_space<vmem>>, vector<16xf32>,
    }
    %scan3A_9 = arith.constant 176 : i32
    %scan3A_10 = arith.constant 0 : i32
    %scan3A_11 = arith.constant 0 : i32
    %mul3A_12 = arith.constant 1 : i32
    %mul3A_13 = arith.muli %add3A, %mul3A_12 : i32
    %add3A_14 = arith.addi %mul3A_13, %scan3A_11 : i32
    %jit3A = arith.constant 32 : i32
    %eq3A = arith.constant 0 : i32
    %eq3A_15 = arith.cmpi eq, %jit3A, %eq3A : i32
    %jit3A_16 = arith.constant 1 : i32
    %select_n3A = arith.select %eq3A_15, %jit3A_16, %jit3A : i32
    %rem3A = arith.remsi %add3A_14, %select_n3A : i32
    %ne3A = arith.constant 0 : i32
    %ne3A_17 = arith.cmpi ne, %rem3A, %ne3A : i32
    %lt3A = arith.constant 0 : i32
    %lt3A_18 = arith.cmpi slt, %rem3A, %lt3A : i32
    %lt3A_19 = arith.constant 0 : i32
    %lt3A_20 = arith.cmpi slt, %select_n3A, %lt3A_19 : i32
    %ne3A_21 = arith.xori %lt3A_18, %lt3A_20 : i1
    %and3A = arith.andi %ne3A_21, %ne3A_17 : i1
    %add3A_22 = arith.addi %rem3A, %select_n3A : i32
    %select_n3A_23 = arith.select %and3A, %add3A_22, %rem3A : i32
    %jit3A_24 = arith.constant 4 : i32
    %div3A = arith.divsi %select_n3A_23, %jit3A_24 : i32
    %sign3A = arith.constant 0 : i32
    %sign3A_25 = arith.cmpi sgt, %select_n3A_23, %sign3A : i32
    %sign3A_26 = arith.extui %sign3A_25 : i1 to i32
    %sign3A_27 = arith.constant 0 : i32
    %sign3A_28 = arith.cmpi slt, %select_n3A_23, %sign3A_27 : i32
    %sign3A_29 = arith.extui %sign3A_28 : i1 to i32
    %sign3A_30 = arith.subi %sign3A_26, %sign3A_29 : i32
    %sign3A_31 = arith.constant 0 : i32
    %sign3A_32 = arith.cmpi sgt, %jit3A_24, %sign3A_31 : i32
    %sign3A_33 = arith.extui %sign3A_32 : i1 to i32
    %sign3A_34 = arith.constant 0 : i32
    %sign3A_35 = arith.cmpi slt, %jit3A_24, %sign3A_34 : i32
    %sign3A_36 = arith.extui %sign3A_35 : i1 to i32
    %sign3A_37 = arith.subi %sign3A_33, %sign3A_36 : i32
    %ne3A_38 = arith.cmpi ne, %sign3A_30, %sign3A_37 : i32
    %rem3A_39 = arith.remsi %select_n3A_23, %jit3A_24 : i32
    %ne3A_40 = arith.constant 0 : i32
    %ne3A_41 = arith.cmpi ne, %rem3A_39, %ne3A_40 : i32
    %and3A_42 = arith.andi %ne3A_38, %ne3A_41 : i1
    %sub3A = arith.constant 1 : i32
    %sub3A_43 = arith.subi %div3A, %sub3A : i32
    %select_n3A_44 = arith.select %and3A_42, %sub3A_43, %div3A : i32
    %mul3A_45 = arith.constant 8 : i32
    %mul3A_46 = arith.muli %mul3A_45, %select_n3A_44 : i32
    %jit3A_47 = arith.constant 4 : i32
    %eq3A_48 = arith.constant 0 : i32
    %eq3A_49 = arith.cmpi eq, %jit3A_47, %eq3A_48 : i32
    %jit3A_50 = arith.constant 1 : i32
    %select_n3A_51 = arith.select %eq3A_49, %jit3A_50, %jit3A_47 : i32
    %rem3A_52 = arith.remsi %select_n3A_23, %select_n3A_51 : i32
    %ne3A_53 = arith.constant 0 : i32
    %ne3A_54 = arith.cmpi ne, %rem3A_52, %ne3A_53 : i32
    %lt3A_55 = arith.constant 0 : i32
    %lt3A_56 = arith.cmpi slt, %rem3A_52, %lt3A_55 : i32
    %lt3A_57 = arith.constant 0 : i32
    %lt3A_58 = arith.cmpi slt, %select_n3A_51, %lt3A_57 : i32
    %ne3A_59 = arith.xori %lt3A_56, %lt3A_58 : i1
    %and3A_60 = arith.andi %ne3A_59, %ne3A_54 : i1
    %add3A_61 = arith.addi %rem3A_52, %select_n3A_51 : i32
    %select_n3A_62 = arith.select %and3A_60, %add3A_61, %rem3A_52 : i32
    %mul3A_63 = arith.constant 2 : i32
    %mul3A_64 = arith.muli %mul3A_63, %select_n3A_62 : i32
    %add3A_65 = arith.addi %mul3A_46, %mul3A_64 : i32
    "tpu.region"() ({
      %run_scoped3A = tpu.sem_alloc : memref<!tpu.dma_semaphore, #tpu.memory_space<semaphore_mem>>
      %dma_start3A = arith.constant 0 : i32
      %dma_start3A_79 = tpu.memref_slice %arg2[%add3A_14, %dma_start3A] : memref<32x8192xf32, #tpu.memory_space<hbm>> -> memref<1x8192xf32, #tpu.memory_space<hbm>>
      %dma_start3A_80 = tpu.memref_squeeze %dma_start3A_79 : memref<1x8192xf32, #tpu.memory_space<hbm>> -> memref<8192xf32, #tpu.memory_space<hbm>>
      %dma_start3A_81 = arith.constant 0 : i32
      %dma_start3A_82 = tpu.memref_slice %arg2[%add3A_14, %dma_start3A_81] : memref<32x8192xf32, #tpu.memory_space<hbm>> -> memref<1x8192xf32, #tpu.memory_space<hbm>>
      %dma_start3A_83 = tpu.memref_squeeze %dma_start3A_82 : memref<1x8192xf32, #tpu.memory_space<hbm>> -> memref<8192xf32, #tpu.memory_space<hbm>>
      tpu.enqueue_dma source(%dma_start3A_83 : memref<8192xf32, #tpu.memory_space<hbm>>) target(%arg5 : memref<8192xf32, #tpu.memory_space<vmem>>) target_semaphore(%run_scoped3A : memref<!tpu.dma_semaphore, #tpu.memory_space<semaphore_mem>>)
      %dma_wait3A = arith.constant 0 : i32
      %dma_wait3A_84 = tpu.memref_slice %arg2[%add3A_14, %dma_wait3A] : memref<32x8192xf32, #tpu.memory_space<hbm>> -> memref<1x8192xf32, #tpu.memory_space<hbm>>
      %dma_wait3A_85 = tpu.memref_squeeze %dma_wait3A_84 : memref<1x8192xf32, #tpu.memory_space<hbm>> -> memref<8192xf32, #tpu.memory_space<hbm>>
      %dma_wait3A_86 = arith.constant 0 : i32
      %dma_wait3A_87 = tpu.memref_slice %arg2[%add3A_14, %dma_wait3A_86] : memref<32x8192xf32, #tpu.memory_space<hbm>> -> memref<1x8192xf32, #tpu.memory_space<hbm>>
      %dma_wait3A_88 = tpu.memref_squeeze %dma_wait3A_87 : memref<1x8192xf32, #tpu.memory_space<hbm>> -> memref<8192xf32, #tpu.memory_space<hbm>>
      tpu.wait_dma2 semaphore(%run_scoped3A : memref<!tpu.dma_semaphore, #tpu.memory_space<semaphore_mem>>) src(%dma_wait3A_88 : memref<8192xf32, #tpu.memory_space<hbm>>) dst(%arg5 : memref<8192xf32, #tpu.memory_space<vmem>>)
      tpu.yield
    }) : () -> ()
    "tpu.region"() ({
      %run_scoped3A = tpu.sem_alloc : memref<!tpu.dma_semaphore, #tpu.memory_space<semaphore_mem>>
      %dma_start3A = arith.constant 0 : i32
      %dma_start3A_79 = tpu.memref_slice %arg3[%add3A_14, %dma_start3A] : memref<32x8192xi32, #tpu.memory_space<hbm>> -> memref<1x8192xi32, #tpu.memory_space<hbm>>
      %dma_start3A_80 = tpu.memref_squeeze %dma_start3A_79 : memref<1x8192xi32, #tpu.memory_space<hbm>> -> memref<8192xi32, #tpu.memory_space<hbm>>
      %dma_start3A_81 = arith.constant 0 : i32
      %dma_start3A_82 = tpu.memref_slice %arg3[%add3A_14, %dma_start3A_81] : memref<32x8192xi32, #tpu.memory_space<hbm>> -> memref<1x8192xi32, #tpu.memory_space<hbm>>
      %dma_start3A_83 = tpu.memref_squeeze %dma_start3A_82 : memref<1x8192xi32, #tpu.memory_space<hbm>> -> memref<8192xi32, #tpu.memory_space<hbm>>
      tpu.enqueue_dma source(%dma_start3A_83 : memref<8192xi32, #tpu.memory_space<hbm>>) target(%arg6 : memref<8192xi32, #tpu.memory_space<vmem>>) target_semaphore(%run_scoped3A : memref<!tpu.dma_semaphore, #tpu.memory_space<semaphore_mem>>)
      %dma_wait3A = arith.constant 0 : i32
      %dma_wait3A_84 = tpu.memref_slice %arg3[%add3A_14, %dma_wait3A] : memref<32x8192xi32, #tpu.memory_space<hbm>> -> memref<1x8192xi32, #tpu.memory_space<hbm>>
      %dma_wait3A_85 = tpu.memref_squeeze %dma_wait3A_84 : memref<1x8192xi32, #tpu.memory_space<hbm>> -> memref<8192xi32, #tpu.memory_space<hbm>>
      %dma_wait3A_86 = arith.constant 0 : i32
      %dma_wait3A_87 = tpu.memref_slice %arg3[%add3A_14, %dma_wait3A_86] : memref<32x8192xi32, #tpu.memory_space<hbm>> -> memref<1x8192xi32, #tpu.memory_space<hbm>>
      %dma_wait3A_88 = tpu.memref_squeeze %dma_wait3A_87 : memref<1x8192xi32, #tpu.memory_space<hbm>> -> memref<8192xi32, #tpu.memory_space<hbm>>
      tpu.wait_dma2 semaphore(%run_scoped3A : memref<!tpu.dma_semaphore, #tpu.memory_space<semaphore_mem>>) src(%dma_wait3A_88 : memref<8192xi32, #tpu.memory_space<hbm>>) dst(%arg6 : memref<8192xi32, #tpu.memory_space<vmem>>)
      tpu.yield
    }) : () -> ()
    %scan3A_66 = arith.constant 0 : i32
    %scan3A_67 = arith.constant 0 : i32
    %scan3A_68 = arith.constant 512 : i32
    %scan3A_69 = arith.addi %scan3A_67, %scan3A_68 : i32
    %scan3A_70 = arith.constant 1 : i32
    scf.for %scan3A_79 = %scan3A_67 to %scan3A_69 step %scan3A_70  : i32 {
      %mul3A_80 = arith.constant 16 : i32
      %mul3A_81 = arith.muli %scan3A_79, %mul3A_80 : i32
      %get3A = arith.index_cast %mul3A_81 : i32 to index
      %get3A_82 = tpu.vector_load %arg5[%get3A] {strides = array<i32>} : memref<8192xf32, #tpu.memory_space<vmem>>, vector<16xf32>,
      %convert_element_type3A = arith.fptosi %get3A_82 : vector<16xf32> to vector<16xi32>
      %mul3A_83 = arith.constant 4 : i32
      %mul3A_84 = arith.muli %mul3A_83, %add3A_65 : i32
      %sub3A_85 = vector.broadcast %mul3A_84 : i32 to vector<16xi32>
      %sub3A_86 = arith.subi %convert_element_type3A, %sub3A_85 : vector<16xi32>
      %mul3A_87 = arith.constant 16 : i32
      %mul3A_88 = arith.muli %scan3A_79, %mul3A_87 : i32
      %get3A_89 = arith.index_cast %mul3A_88 : i32 to index
      %get3A_90 = tpu.vector_load %arg6[%get3A_89] {strides = array<i32>} : memref<8192xi32, #tpu.memory_space<vmem>>, vector<16xi32>,
      %mul3A_91 = arith.constant 8 : i32
      %mul3A_92 = vector.broadcast %mul3A_91 : i32 to vector<16xi32>
      %mul3A_93 = arith.muli %get3A_90, %mul3A_92 : vector<16xi32>
      %add3A_94 = arith.addi %mul3A_93, %sub3A_86 : vector<16xi32>
      %add3A_95 = arith.addi %add3A_94, %mul3A_3 : vector<16xi32>
      tpu.vector_store_idx %arg7[%add3A_95], %broadcast_in_dim3A_4 {add = true} : memref<2816xf32, #tpu.memory_space<vmem>>[vector<16xi32>], vector<16xf32>,
    }
    %scan3A_71 = arith.constant 512 : i32
    %scan3A_72 = arith.constant 0 : i32
    %scan3A_73 = arith.constant 0 : i32
    %scan3A_74 = arith.constant 11 : i32
    %scan3A_75 = arith.addi %scan3A_73, %scan3A_74 : i32
    %scan3A_76 = arith.constant 1 : i32
    scf.for %scan3A_79 = %scan3A_73 to %scan3A_75 step %scan3A_76  : i32 {
      %broadcast_in_dim3A_80 = arith.constant 0.000000e+00 : f32
      %broadcast_in_dim3A_81 = vector.broadcast %broadcast_in_dim3A_80 : f32 to vector<16xf32>
      %mul3A_82 = arith.constant 16 : i32
      %mul3A_83 = arith.muli %scan3A_79, %mul3A_82 : i32
      %add3A_84 = arith.constant 0 : i32
      %add3A_85 = arith.addi %add3A_84, %mul3A_83 : i32
      %get3A = arith.index_cast %add3A_85 : i32 to index
      %get3A_86 = tpu.vector_load %arg7[%get3A] {strides = array<i32>} : memref<2816xf32, #tpu.memory_space<vmem>>, vector<16xf32>,
      %add3A_87 = arith.addf %broadcast_in_dim3A_81, %get3A_86 : vector<16xf32>
      %broadcast_in_dim3A_88 = arith.constant 0.000000e+00 : f32
      %broadcast_in_dim3A_89 = vector.broadcast %broadcast_in_dim3A_88 : f32 to vector<16xf32>
      %mul3A_90 = arith.constant 16 : i32
      %mul3A_91 = arith.muli %scan3A_79, %mul3A_90 : i32
      %add3A_92 = arith.constant 0 : i32
      %add3A_93 = arith.addi %add3A_92, %mul3A_91 : i32
      %swap3A = arith.index_cast %add3A_93 : i32 to index
      %swap3A_94 = tpu.vector_load %arg7[%swap3A] {strides = array<i32>} : memref<2816xf32, #tpu.memory_space<vmem>>, vector<16xf32>,
      tpu.vector_store %arg7[%swap3A], %broadcast_in_dim3A_89 {strides = array<i32>} : memref<2816xf32, #tpu.memory_space<vmem>>, vector<16xf32>,
      %mul3A_95 = arith.constant 16 : i32
      %mul3A_96 = arith.muli %scan3A_79, %mul3A_95 : i32
      %add3A_97 = arith.constant 176 : i32
      %add3A_98 = arith.addi %add3A_97, %mul3A_96 : i32
      %get3A_99 = arith.index_cast %add3A_98 : i32 to index
      %get3A_100 = tpu.vector_load %arg7[%get3A_99] {strides = array<i32>} : memref<2816xf32, #tpu.memory_space<vmem>>, vector<16xf32>,
      %add3A_101 = arith.addf %add3A_87, %get3A_100 : vector<16xf32>
      %broadcast_in_dim3A_102 = arith.constant 0.000000e+00 : f32
      %broadcast_in_dim3A_103 = vector.broadcast %broadcast_in_dim3A_102 : f32 to vector<16xf32>
      %mul3A_104 = arith.constant 16 : i32
      %mul3A_105 = arith.muli %scan3A_79, %mul3A_104 : i32
      %add3A_106 = arith.constant 176 : i32
      %add3A_107 = arith.addi %add3A_106, %mul3A_105 : i32
      %swap3A_108 = arith.index_cast %add3A_107 : i32 to index
      %swap3A_109 = tpu.vector_load %arg7[%swap3A_108] {strides = array<i32>} : memref<2816xf32, #tpu.memory_space<vmem>>, vector<16xf32>,
      tpu.vector_store %arg7[%swap3A_108], %broadcast_in_dim3A_103 {strides = array<i32>} : memref<2816xf32, #tpu.memory_space<vmem>>, vector<16xf32>,
      %mul3A_110 = arith.constant 16 : i32
      %mul3A_111 = arith.muli %scan3A_79, %mul3A_110 : i32
      %add3A_112 = arith.constant 352 : i32
      %add3A_113 = arith.addi %add3A_112, %mul3A_111 : i32
      %get3A_114 = arith.index_cast %add3A_113 : i32 to index
      %get3A_115 = tpu.vector_load %arg7[%get3A_114] {strides = array<i32>} : memref<2816xf32, #tpu.memory_space<vmem>>, vector<16xf32>,
      %add3A_116 = arith.addf %add3A_101, %get3A_115 : vector<16xf32>
      %broadcast_in_dim3A_117 = arith.constant 0.000000e+00 : f32
      %broadcast_in_dim3A_118 = vector.broadcast %broadcast_in_dim3A_117 : f32 to vector<16xf32>
      %mul3A_119 = arith.constant 16 : i32
      %mul3A_120 = arith.muli %scan3A_79, %mul3A_119 : i32
      %add3A_121 = arith.constant 352 : i32
      %add3A_122 = arith.addi %add3A_121, %mul3A_120 : i32
      %swap3A_123 = arith.index_cast %add3A_122 : i32 to index
      %swap3A_124 = tpu.vector_load %arg7[%swap3A_123] {strides = array<i32>} : memref<2816xf32, #tpu.memory_space<vmem>>, vector<16xf32>,
      tpu.vector_store %arg7[%swap3A_123], %broadcast_in_dim3A_118 {strides = array<i32>} : memref<2816xf32, #tpu.memory_space<vmem>>, vector<16xf32>,
      %mul3A_125 = arith.constant 16 : i32
      %mul3A_126 = arith.muli %scan3A_79, %mul3A_125 : i32
      %add3A_127 = arith.constant 528 : i32
      %add3A_128 = arith.addi %add3A_127, %mul3A_126 : i32
      %get3A_129 = arith.index_cast %add3A_128 : i32 to index
      %get3A_130 = tpu.vector_load %arg7[%get3A_129] {strides = array<i32>} : memref<2816xf32, #tpu.memory_space<vmem>>, vector<16xf32>,
      %add3A_131 = arith.addf %add3A_116, %get3A_130 : vector<16xf32>
      %broadcast_in_dim3A_132 = arith.constant 0.000000e+00 : f32
      %broadcast_in_dim3A_133 = vector.broadcast %broadcast_in_dim3A_132 : f32 to vector<16xf32>
      %mul3A_134 = arith.constant 16 : i32
      %mul3A_135 = arith.muli %scan3A_79, %mul3A_134 : i32
      %add3A_136 = arith.constant 528 : i32
      %add3A_137 = arith.addi %add3A_136, %mul3A_135 : i32
      %swap3A_138 = arith.index_cast %add3A_137 : i32 to index
      %swap3A_139 = tpu.vector_load %arg7[%swap3A_138] {strides = array<i32>} : memref<2816xf32, #tpu.memory_space<vmem>>, vector<16xf32>,
      tpu.vector_store %arg7[%swap3A_138], %broadcast_in_dim3A_133 {strides = array<i32>} : memref<2816xf32, #tpu.memory_space<vmem>>, vector<16xf32>,
      %mul3A_140 = arith.constant 16 : i32
      %mul3A_141 = arith.muli %scan3A_79, %mul3A_140 : i32
      %add3A_142 = arith.constant 704 : i32
      %add3A_143 = arith.addi %add3A_142, %mul3A_141 : i32
      %get3A_144 = arith.index_cast %add3A_143 : i32 to index
      %get3A_145 = tpu.vector_load %arg7[%get3A_144] {strides = array<i32>} : memref<2816xf32, #tpu.memory_space<vmem>>, vector<16xf32>,
      %add3A_146 = arith.addf %add3A_131, %get3A_145 : vector<16xf32>
      %broadcast_in_dim3A_147 = arith.constant 0.000000e+00 : f32
      %broadcast_in_dim3A_148 = vector.broadcast %broadcast_in_dim3A_147 : f32 to vector<16xf32>
      %mul3A_149 = arith.constant 16 : i32
      %mul3A_150 = arith.muli %scan3A_79, %mul3A_149 : i32
      %add3A_151 = arith.constant 704 : i32
      %add3A_152 = arith.addi %add3A_151, %mul3A_150 : i32
      %swap3A_153 = arith.index_cast %add3A_152 : i32 to index
      %swap3A_154 = tpu.vector_load %arg7[%swap3A_153] {strides = array<i32>} : memref<2816xf32, #tpu.memory_space<vmem>>, vector<16xf32>,
      tpu.vector_store %arg7[%swap3A_153], %broadcast_in_dim3A_148 {strides = array<i32>} : memref<2816xf32, #tpu.memory_space<vmem>>, vector<16xf32>,
      %mul3A_155 = arith.constant 16 : i32
      %mul3A_156 = arith.muli %scan3A_79, %mul3A_155 : i32
      %add3A_157 = arith.constant 880 : i32
      %add3A_158 = arith.addi %add3A_157, %mul3A_156 : i32
      %get3A_159 = arith.index_cast %add3A_158 : i32 to index
      %get3A_160 = tpu.vector_load %arg7[%get3A_159] {strides = array<i32>} : memref<2816xf32, #tpu.memory_space<vmem>>, vector<16xf32>,
      %add3A_161 = arith.addf %add3A_146, %get3A_160 : vector<16xf32>
      %broadcast_in_dim3A_162 = arith.constant 0.000000e+00 : f32
      %broadcast_in_dim3A_163 = vector.broadcast %broadcast_in_dim3A_162 : f32 to vector<16xf32>
      %mul3A_164 = arith.constant 16 : i32
      %mul3A_165 = arith.muli %scan3A_79, %mul3A_164 : i32
      %add3A_166 = arith.constant 880 : i32
      %add3A_167 = arith.addi %add3A_166, %mul3A_165 : i32
      %swap3A_168 = arith.index_cast %add3A_167 : i32 to index
      %swap3A_169 = tpu.vector_load %arg7[%swap3A_168] {strides = array<i32>} : memref<2816xf32, #tpu.memory_space<vmem>>, vector<16xf32>,
      tpu.vector_store %arg7[%swap3A_168], %broadcast_in_dim3A_163 {strides = array<i32>} : memref<2816xf32, #tpu.memory_space<vmem>>, vector<16xf32>,
      %mul3A_170 = arith.constant 16 : i32
      %mul3A_171 = arith.muli %scan3A_79, %mul3A_170 : i32
      %add3A_172 = arith.constant 1056 : i32
      %add3A_173 = arith.addi %add3A_172, %mul3A_171 : i32
      %get3A_174 = arith.index_cast %add3A_173 : i32 to index
      %get3A_175 = tpu.vector_load %arg7[%get3A_174] {strides = array<i32>} : memref<2816xf32, #tpu.memory_space<vmem>>, vector<16xf32>,
      %add3A_176 = arith.addf %add3A_161, %get3A_175 : vector<16xf32>
      %broadcast_in_dim3A_177 = arith.constant 0.000000e+00 : f32
      %broadcast_in_dim3A_178 = vector.broadcast %broadcast_in_dim3A_177 : f32 to vector<16xf32>
      %mul3A_179 = arith.constant 16 : i32
      %mul3A_180 = arith.muli %scan3A_79, %mul3A_179 : i32
      %add3A_181 = arith.constant 1056 : i32
      %add3A_182 = arith.addi %add3A_181, %mul3A_180 : i32
      %swap3A_183 = arith.index_cast %add3A_182 : i32 to index
      %swap3A_184 = tpu.vector_load %arg7[%swap3A_183] {strides = array<i32>} : memref<2816xf32, #tpu.memory_space<vmem>>, vector<16xf32>,
      tpu.vector_store %arg7[%swap3A_183], %broadcast_in_dim3A_178 {strides = array<i32>} : memref<2816xf32, #tpu.memory_space<vmem>>, vector<16xf32>,
      %mul3A_185 = arith.constant 16 : i32
      %mul3A_186 = arith.muli %scan3A_79, %mul3A_185 : i32
      %add3A_187 = arith.constant 1232 : i32
      %add3A_188 = arith.addi %add3A_187, %mul3A_186 : i32
      %get3A_189 = arith.index_cast %add3A_188 : i32 to index
      %get3A_190 = tpu.vector_load %arg7[%get3A_189] {strides = array<i32>} : memref<2816xf32, #tpu.memory_space<vmem>>, vector<16xf32>,
      %add3A_191 = arith.addf %add3A_176, %get3A_190 : vector<16xf32>
      %broadcast_in_dim3A_192 = arith.constant 0.000000e+00 : f32
      %broadcast_in_dim3A_193 = vector.broadcast %broadcast_in_dim3A_192 : f32 to vector<16xf32>
      %mul3A_194 = arith.constant 16 : i32
      %mul3A_195 = arith.muli %scan3A_79, %mul3A_194 : i32
      %add3A_196 = arith.constant 1232 : i32
      %add3A_197 = arith.addi %add3A_196, %mul3A_195 : i32
      %swap3A_198 = arith.index_cast %add3A_197 : i32 to index
      %swap3A_199 = tpu.vector_load %arg7[%swap3A_198] {strides = array<i32>} : memref<2816xf32, #tpu.memory_space<vmem>>, vector<16xf32>,
      tpu.vector_store %arg7[%swap3A_198], %broadcast_in_dim3A_193 {strides = array<i32>} : memref<2816xf32, #tpu.memory_space<vmem>>, vector<16xf32>,
      %mul3A_200 = arith.constant 16 : i32
      %mul3A_201 = arith.muli %scan3A_79, %mul3A_200 : i32
      %add3A_202 = arith.constant 1408 : i32
      %add3A_203 = arith.addi %add3A_202, %mul3A_201 : i32
      %get3A_204 = arith.index_cast %add3A_203 : i32 to index
      %get3A_205 = tpu.vector_load %arg7[%get3A_204] {strides = array<i32>} : memref<2816xf32, #tpu.memory_space<vmem>>, vector<16xf32>,
      %add3A_206 = arith.addf %add3A_191, %get3A_205 : vector<16xf32>
      %broadcast_in_dim3A_207 = arith.constant 0.000000e+00 : f32
      %broadcast_in_dim3A_208 = vector.broadcast %broadcast_in_dim3A_207 : f32 to vector<16xf32>
      %mul3A_209 = arith.constant 16 : i32
      %mul3A_210 = arith.muli %scan3A_79, %mul3A_209 : i32
      %add3A_211 = arith.constant 1408 : i32
      %add3A_212 = arith.addi %add3A_211, %mul3A_210 : i32
      %swap3A_213 = arith.index_cast %add3A_212 : i32 to index
      %swap3A_214 = tpu.vector_load %arg7[%swap3A_213] {strides = array<i32>} : memref<2816xf32, #tpu.memory_space<vmem>>, vector<16xf32>,
      tpu.vector_store %arg7[%swap3A_213], %broadcast_in_dim3A_208 {strides = array<i32>} : memref<2816xf32, #tpu.memory_space<vmem>>, vector<16xf32>,
      %mul3A_215 = arith.constant 16 : i32
      %mul3A_216 = arith.muli %scan3A_79, %mul3A_215 : i32
      %add3A_217 = arith.constant 1584 : i32
      %add3A_218 = arith.addi %add3A_217, %mul3A_216 : i32
      %get3A_219 = arith.index_cast %add3A_218 : i32 to index
      %get3A_220 = tpu.vector_load %arg7[%get3A_219] {strides = array<i32>} : memref<2816xf32, #tpu.memory_space<vmem>>, vector<16xf32>,
      %add3A_221 = arith.addf %add3A_206, %get3A_220 : vector<16xf32>
      %broadcast_in_dim3A_222 = arith.constant 0.000000e+00 : f32
      %broadcast_in_dim3A_223 = vector.broadcast %broadcast_in_dim3A_222 : f32 to vector<16xf32>
      %mul3A_224 = arith.constant 16 : i32
      %mul3A_225 = arith.muli %scan3A_79, %mul3A_224 : i32
      %add3A_226 = arith.constant 1584 : i32
      %add3A_227 = arith.addi %add3A_226, %mul3A_225 : i32
      %swap3A_228 = arith.index_cast %add3A_227 : i32 to index
      %swap3A_229 = tpu.vector_load %arg7[%swap3A_228] {strides = array<i32>} : memref<2816xf32, #tpu.memory_space<vmem>>, vector<16xf32>,
      tpu.vector_store %arg7[%swap3A_228], %broadcast_in_dim3A_223 {strides = array<i32>} : memref<2816xf32, #tpu.memory_space<vmem>>, vector<16xf32>,
      %mul3A_230 = arith.constant 16 : i32
      %mul3A_231 = arith.muli %scan3A_79, %mul3A_230 : i32
      %add3A_232 = arith.constant 1760 : i32
      %add3A_233 = arith.addi %add3A_232, %mul3A_231 : i32
      %get3A_234 = arith.index_cast %add3A_233 : i32 to index
      %get3A_235 = tpu.vector_load %arg7[%get3A_234] {strides = array<i32>} : memref<2816xf32, #tpu.memory_space<vmem>>, vector<16xf32>,
      %add3A_236 = arith.addf %add3A_221, %get3A_235 : vector<16xf32>
      %broadcast_in_dim3A_237 = arith.constant 0.000000e+00 : f32
      %broadcast_in_dim3A_238 = vector.broadcast %broadcast_in_dim3A_237 : f32 to vector<16xf32>
      %mul3A_239 = arith.constant 16 : i32
      %mul3A_240 = arith.muli %scan3A_79, %mul3A_239 : i32
      %add3A_241 = arith.constant 1760 : i32
      %add3A_242 = arith.addi %add3A_241, %mul3A_240 : i32
      %swap3A_243 = arith.index_cast %add3A_242 : i32 to index
      %swap3A_244 = tpu.vector_load %arg7[%swap3A_243] {strides = array<i32>} : memref<2816xf32, #tpu.memory_space<vmem>>, vector<16xf32>,
      tpu.vector_store %arg7[%swap3A_243], %broadcast_in_dim3A_238 {strides = array<i32>} : memref<2816xf32, #tpu.memory_space<vmem>>, vector<16xf32>,
      %mul3A_245 = arith.constant 16 : i32
      %mul3A_246 = arith.muli %scan3A_79, %mul3A_245 : i32
      %add3A_247 = arith.constant 1936 : i32
      %add3A_248 = arith.addi %add3A_247, %mul3A_246 : i32
      %get3A_249 = arith.index_cast %add3A_248 : i32 to index
      %get3A_250 = tpu.vector_load %arg7[%get3A_249] {strides = array<i32>} : memref<2816xf32, #tpu.memory_space<vmem>>, vector<16xf32>,
      %add3A_251 = arith.addf %add3A_236, %get3A_250 : vector<16xf32>
      %broadcast_in_dim3A_252 = arith.constant 0.000000e+00 : f32
      %broadcast_in_dim3A_253 = vector.broadcast %broadcast_in_dim3A_252 : f32 to vector<16xf32>
      %mul3A_254 = arith.constant 16 : i32
      %mul3A_255 = arith.muli %scan3A_79, %mul3A_254 : i32
      %add3A_256 = arith.constant 1936 : i32
      %add3A_257 = arith.addi %add3A_256, %mul3A_255 : i32
      %swap3A_258 = arith.index_cast %add3A_257 : i32 to index
      %swap3A_259 = tpu.vector_load %arg7[%swap3A_258] {strides = array<i32>} : memref<2816xf32, #tpu.memory_space<vmem>>, vector<16xf32>,
      tpu.vector_store %arg7[%swap3A_258], %broadcast_in_dim3A_253 {strides = array<i32>} : memref<2816xf32, #tpu.memory_space<vmem>>, vector<16xf32>,
      %mul3A_260 = arith.constant 16 : i32
      %mul3A_261 = arith.muli %scan3A_79, %mul3A_260 : i32
      %add3A_262 = arith.constant 2112 : i32
      %add3A_263 = arith.addi %add3A_262, %mul3A_261 : i32
      %get3A_264 = arith.index_cast %add3A_263 : i32 to index
      %get3A_265 = tpu.vector_load %arg7[%get3A_264] {strides = array<i32>} : memref<2816xf32, #tpu.memory_space<vmem>>, vector<16xf32>,
      %add3A_266 = arith.addf %add3A_251, %get3A_265 : vector<16xf32>
      %broadcast_in_dim3A_267 = arith.constant 0.000000e+00 : f32
      %broadcast_in_dim3A_268 = vector.broadcast %broadcast_in_dim3A_267 : f32 to vector<16xf32>
      %mul3A_269 = arith.constant 16 : i32
      %mul3A_270 = arith.muli %scan3A_79, %mul3A_269 : i32
      %add3A_271 = arith.constant 2112 : i32
      %add3A_272 = arith.addi %add3A_271, %mul3A_270 : i32
      %swap3A_273 = arith.index_cast %add3A_272 : i32 to index
      %swap3A_274 = tpu.vector_load %arg7[%swap3A_273] {strides = array<i32>} : memref<2816xf32, #tpu.memory_space<vmem>>, vector<16xf32>,
      tpu.vector_store %arg7[%swap3A_273], %broadcast_in_dim3A_268 {strides = array<i32>} : memref<2816xf32, #tpu.memory_space<vmem>>, vector<16xf32>,
      %mul3A_275 = arith.constant 16 : i32
      %mul3A_276 = arith.muli %scan3A_79, %mul3A_275 : i32
      %add3A_277 = arith.constant 2288 : i32
      %add3A_278 = arith.addi %add3A_277, %mul3A_276 : i32
      %get3A_279 = arith.index_cast %add3A_278 : i32 to index
      %get3A_280 = tpu.vector_load %arg7[%get3A_279] {strides = array<i32>} : memref<2816xf32, #tpu.memory_space<vmem>>, vector<16xf32>,
      %add3A_281 = arith.addf %add3A_266, %get3A_280 : vector<16xf32>
      %broadcast_in_dim3A_282 = arith.constant 0.000000e+00 : f32
      %broadcast_in_dim3A_283 = vector.broadcast %broadcast_in_dim3A_282 : f32 to vector<16xf32>
      %mul3A_284 = arith.constant 16 : i32
      %mul3A_285 = arith.muli %scan3A_79, %mul3A_284 : i32
      %add3A_286 = arith.constant 2288 : i32
      %add3A_287 = arith.addi %add3A_286, %mul3A_285 : i32
      %swap3A_288 = arith.index_cast %add3A_287 : i32 to index
      %swap3A_289 = tpu.vector_load %arg7[%swap3A_288] {strides = array<i32>} : memref<2816xf32, #tpu.memory_space<vmem>>, vector<16xf32>,
      tpu.vector_store %arg7[%swap3A_288], %broadcast_in_dim3A_283 {strides = array<i32>} : memref<2816xf32, #tpu.memory_space<vmem>>, vector<16xf32>,
      %mul3A_290 = arith.constant 16 : i32
      %mul3A_291 = arith.muli %scan3A_79, %mul3A_290 : i32
      %add3A_292 = arith.constant 2464 : i32
      %add3A_293 = arith.addi %add3A_292, %mul3A_291 : i32
      %get3A_294 = arith.index_cast %add3A_293 : i32 to index
      %get3A_295 = tpu.vector_load %arg7[%get3A_294] {strides = array<i32>} : memref<2816xf32, #tpu.memory_space<vmem>>, vector<16xf32>,
      %add3A_296 = arith.addf %add3A_281, %get3A_295 : vector<16xf32>
      %broadcast_in_dim3A_297 = arith.constant 0.000000e+00 : f32
      %broadcast_in_dim3A_298 = vector.broadcast %broadcast_in_dim3A_297 : f32 to vector<16xf32>
      %mul3A_299 = arith.constant 16 : i32
      %mul3A_300 = arith.muli %scan3A_79, %mul3A_299 : i32
      %add3A_301 = arith.constant 2464 : i32
      %add3A_302 = arith.addi %add3A_301, %mul3A_300 : i32
      %swap3A_303 = arith.index_cast %add3A_302 : i32 to index
      %swap3A_304 = tpu.vector_load %arg7[%swap3A_303] {strides = array<i32>} : memref<2816xf32, #tpu.memory_space<vmem>>, vector<16xf32>,
      tpu.vector_store %arg7[%swap3A_303], %broadcast_in_dim3A_298 {strides = array<i32>} : memref<2816xf32, #tpu.memory_space<vmem>>, vector<16xf32>,
      %mul3A_305 = arith.constant 16 : i32
      %mul3A_306 = arith.muli %scan3A_79, %mul3A_305 : i32
      %add3A_307 = arith.constant 2640 : i32
      %add3A_308 = arith.addi %add3A_307, %mul3A_306 : i32
      %get3A_309 = arith.index_cast %add3A_308 : i32 to index
      %get3A_310 = tpu.vector_load %arg7[%get3A_309] {strides = array<i32>} : memref<2816xf32, #tpu.memory_space<vmem>>, vector<16xf32>,
      %add3A_311 = arith.addf %add3A_296, %get3A_310 : vector<16xf32>
      %broadcast_in_dim3A_312 = arith.constant 0.000000e+00 : f32
      %broadcast_in_dim3A_313 = vector.broadcast %broadcast_in_dim3A_312 : f32 to vector<16xf32>
      %mul3A_314 = arith.constant 16 : i32
      %mul3A_315 = arith.muli %scan3A_79, %mul3A_314 : i32
      %add3A_316 = arith.constant 2640 : i32
      %add3A_317 = arith.addi %add3A_316, %mul3A_315 : i32
      %swap3A_318 = arith.index_cast %add3A_317 : i32 to index
      %swap3A_319 = tpu.vector_load %arg7[%swap3A_318] {strides = array<i32>} : memref<2816xf32, #tpu.memory_space<vmem>>, vector<16xf32>,
      tpu.vector_store %arg7[%swap3A_318], %broadcast_in_dim3A_313 {strides = array<i32>} : memref<2816xf32, #tpu.memory_space<vmem>>, vector<16xf32>,
      %mul3A_320 = arith.constant 16 : i32
      %mul3A_321 = arith.muli %scan3A_79, %mul3A_320 : i32
      %swap3A_322 = arith.index_cast %mul3A_321 : i32 to index
      %swap3A_323 = tpu.vector_load %arg8[%swap3A_322] {strides = array<i32>} : memref<176xf32, #tpu.memory_space<vmem>>, vector<16xf32>,
      tpu.vector_store %arg8[%swap3A_322], %add3A_311 {strides = array<i32>} : memref<176xf32, #tpu.memory_space<vmem>>, vector<16xf32>,
    }
    %scan3A_77 = arith.constant 11 : i32
    "tpu.region"() ({
      %run_scoped3A = tpu.sem_alloc : memref<!tpu.dma_semaphore, #tpu.memory_space<semaphore_mem>>
      %dma_start3A = arith.constant 0 : i32
      %dma_start3A_79 = tpu.memref_slice %arg4[%add3A_14, %dma_start3A] : memref<32x176xf32, #tpu.memory_space<hbm>> -> memref<1x176xf32, #tpu.memory_space<hbm>>
      %dma_start3A_80 = tpu.memref_squeeze %dma_start3A_79 : memref<1x176xf32, #tpu.memory_space<hbm>> -> memref<176xf32, #tpu.memory_space<hbm>>
      %dma_start3A_81 = arith.constant 0 : i32
      %dma_start3A_82 = tpu.memref_slice %arg4[%add3A_14, %dma_start3A_81] : memref<32x176xf32, #tpu.memory_space<hbm>> -> memref<1x176xf32, #tpu.memory_space<hbm>>
      %dma_start3A_83 = tpu.memref_squeeze %dma_start3A_82 : memref<1x176xf32, #tpu.memory_space<hbm>> -> memref<176xf32, #tpu.memory_space<hbm>>
      tpu.enqueue_dma source(%arg8 : memref<176xf32, #tpu.memory_space<vmem>>) target(%dma_start3A_83 : memref<176xf32, #tpu.memory_space<hbm>>) target_semaphore(%run_scoped3A : memref<!tpu.dma_semaphore, #tpu.memory_space<semaphore_mem>>)
      %dma_wait3A = arith.constant 0 : i32
      %dma_wait3A_84 = tpu.memref_slice %arg4[%add3A_14, %dma_wait3A] : memref<32x176xf32, #tpu.memory_space<hbm>> -> memref<1x176xf32, #tpu.memory_space<hbm>>
      %dma_wait3A_85 = tpu.memref_squeeze %dma_wait3A_84 : memref<1x176xf32, #tpu.memory_space<hbm>> -> memref<176xf32, #tpu.memory_space<hbm>>
      %dma_wait3A_86 = arith.constant 0 : i32
      %dma_wait3A_87 = tpu.memref_slice %arg4[%add3A_14, %dma_wait3A_86] : memref<32x176xf32, #tpu.memory_space<hbm>> -> memref<1x176xf32, #tpu.memory_space<hbm>>
      %dma_wait3A_88 = tpu.memref_squeeze %dma_wait3A_87 : memref<1x176xf32, #tpu.memory_space<hbm>> -> memref<176xf32, #tpu.memory_space<hbm>>
      tpu.wait_dma2 semaphore(%run_scoped3A : memref<!tpu.dma_semaphore, #tpu.memory_space<semaphore_mem>>) src(%arg8 : memref<176xf32, #tpu.memory_space<vmem>>) dst(%dma_wait3A_88 : memref<176xf32, #tpu.memory_space<hbm>>)
      tpu.yield
    }) : () -> ()
    %scan3A_78 = arith.constant 1 : i32
    return
  }
}

module attributes {stable_mosaic.version = 14 : i64} {
  func.func @_tile_kernel(%arg0: i32, %arg1: i32, %arg2: memref<1x97x64x128xf32, #tpu.memory_space<vmem>>, %arg3: memref<1x96x64x128xf32, #tpu.memory_space<vmem>>, %arg4: memref<1x96x64x128xf32, #tpu.memory_space<vmem>>, %arg5: memref<97x96xf32, #tpu.memory_space<vmem>>, %arg6: memref<96x1xf32, #tpu.memory_space<vmem>>, %arg7: memref<96x96xf32, #tpu.memory_space<vmem>>, %arg8: memref<96x1xf32, #tpu.memory_space<vmem>>, %arg9: memref<1x1x8x96xf32, #tpu.memory_space<vmem>>, %arg10: memref<1x1x1x8192xf32, #tpu.memory_space<vmem>>) attributes {dimension_semantics = [#tpu.dimension_semantics<parallel>, #tpu.dimension_semantics<parallel>], iteration_bounds = array<i64: 8, 4>, scalar_prefetch = 0 : i64, scratch_operands = 0 : i64, tpu.core_type = #tpu.core_type<tc>, window_params = [{transform_indices = @transform_0, window_bounds = array<i64: 1, 97, 64, 128>}, {transform_indices = @transform_1, window_bounds = array<i64: 1, 96, 64, 128>}, {transform_indices = @transform_2, window_bounds = array<i64: 1, 96, 64, 128>}, {pipeline_mode = #tpu.pipeline_mode<synchronous>, transform_indices = @transform_3, window_bounds = array<i64: 97, 96>}, {pipeline_mode = #tpu.pipeline_mode<synchronous>, transform_indices = @transform_4, window_bounds = array<i64: 96, 1>}, {pipeline_mode = #tpu.pipeline_mode<synchronous>, transform_indices = @transform_5, window_bounds = array<i64: 96, 96>}, {pipeline_mode = #tpu.pipeline_mode<synchronous>, transform_indices = @transform_6, window_bounds = array<i64: 96, 1>}, {transform_indices = @transform_7, window_bounds = array<i64: 1, 1, 8, 96>}, {transform_indices = @transform_8, window_bounds = array<i64: 1, 1, 1, 8192>}]} {
    %get3A = arith.constant 0 : index
    %get3A_0 = arith.constant 0 : index
    %get3A_1 = arith.constant 0 : index
    %get3A_2 = arith.constant 0 : index
    %get3A_3 = vector.load %arg2[%get3A, %get3A_0, %get3A_1, %get3A_2] : memref<1x97x64x128xf32, #tpu.memory_space<vmem>>, vector<1x97x64x128xf32>
    %get3A_4 = vector.shape_cast %get3A_3 : vector<1x97x64x128xf32> to vector<97x64x128xf32>
    %reshape3A = vector.shape_cast %get3A_4 : vector<97x64x128xf32> to vector<97x8192xf32>
    %get3A_5 = arith.constant 0 : index
    %get3A_6 = arith.constant 0 : index
    %get3A_7 = arith.constant 0 : index
    %get3A_8 = arith.constant 0 : index
    %get3A_9 = vector.load %arg3[%get3A_5, %get3A_6, %get3A_7, %get3A_8] : memref<1x96x64x128xf32, #tpu.memory_space<vmem>>, vector<1x96x64x128xf32>
    %get3A_10 = vector.shape_cast %get3A_9 : vector<1x96x64x128xf32> to vector<96x64x128xf32>
    %reshape3A_11 = vector.shape_cast %get3A_10 : vector<96x64x128xf32> to vector<96x8192xf32>
    %get3A_12 = arith.constant 0 : index
    %get3A_13 = arith.constant 0 : index
    %get3A_14 = arith.constant 0 : index
    %get3A_15 = arith.constant 0 : index
    %get3A_16 = vector.load %arg4[%get3A_12, %get3A_13, %get3A_14, %get3A_15] : memref<1x96x64x128xf32, #tpu.memory_space<vmem>>, vector<1x96x64x128xf32>
    %get3A_17 = vector.shape_cast %get3A_16 : vector<1x96x64x128xf32> to vector<96x64x128xf32>
    %reshape3A_18 = vector.shape_cast %get3A_17 : vector<96x64x128xf32> to vector<96x8192xf32>
    %get3A_19 = arith.constant 0 : index
    %get3A_20 = arith.constant 0 : index
    %get3A_21 = vector.load %arg5[%get3A_19, %get3A_20] : memref<97x96xf32, #tpu.memory_space<vmem>>, vector<97x96xf32>
    %dot_general3A = arith.constant dense<0.000000e+00> : vector<96x8192xf32>
    %dot_general3A_22 = tpu.matmul %get3A_21, %reshape3A, %dot_general3A {dimension_numbers = #tpu.dot_dimension_numbers<[0], [0], [1], [1], [0, 1, 1, 1], [], []>, transpose_lhs_hint = false} : vector<97x96xf32>, vector<97x8192xf32>, vector<96x8192xf32> -> vector<96x8192xf32>
    %get3A_23 = arith.constant 0 : index
    %get3A_24 = arith.constant 0 : index
    %get3A_25 = vector.load %arg6[%get3A_23, %get3A_24] : memref<96x1xf32, #tpu.memory_space<vmem>>, vector<96x1xf32>
    %add3A = vector.broadcast %get3A_25 : vector<96x1xf32> to vector<96x8192xf32>
    %add3A_26 = arith.addf %dot_general3A_22, %add3A : vector<96x8192xf32>
    %get3A_27 = arith.constant 0 : index
    %get3A_28 = arith.constant 0 : index
    %get3A_29 = vector.load %arg7[%get3A_27, %get3A_28] : memref<96x96xf32, #tpu.memory_space<vmem>>, vector<96x96xf32>
    %dot_general3A_30 = arith.constant dense<0.000000e+00> : vector<96x8192xf32>
    %dot_general3A_31 = tpu.matmul %get3A_29, %reshape3A_18, %dot_general3A_30 {dimension_numbers = #tpu.dot_dimension_numbers<[0], [0], [1], [1], [0, 1, 1, 1], [], []>, transpose_lhs_hint = false} : vector<96x96xf32>, vector<96x8192xf32>, vector<96x8192xf32> -> vector<96x8192xf32>
    %get3A_32 = arith.constant 0 : index
    %get3A_33 = arith.constant 0 : index
    %get3A_34 = vector.load %arg8[%get3A_32, %get3A_33] : memref<96x1xf32, #tpu.memory_space<vmem>>, vector<96x1xf32>
    %add3A_35 = vector.broadcast %get3A_34 : vector<96x1xf32> to vector<96x8192xf32>
    %add3A_36 = arith.addf %dot_general3A_31, %add3A_35 : vector<96x8192xf32>
    %iota3A = tpu.iota {dimensions = array<i32: 1>} : vector<1x8192xi32>
    %jit3A = arith.constant 64 : i32
    %div3A = vector.broadcast %jit3A : i32 to vector<1x8192xi32>
    %div3A_37 = arith.divsi %iota3A, %div3A : vector<1x8192xi32>
    %sign3A = arith.constant 0 : i32
    %sign3A_38 = vector.broadcast %sign3A : i32 to vector<1x8192xi32>
    %sign3A_39 = arith.cmpi sgt, %iota3A, %sign3A_38 : vector<1x8192xi32>
    %sign3A_40 = arith.extui %sign3A_39 : vector<1x8192xi1> to vector<1x8192xi32>
    %sign3A_41 = arith.constant 0 : i32
    %sign3A_42 = vector.broadcast %sign3A_41 : i32 to vector<1x8192xi32>
    %sign3A_43 = arith.cmpi slt, %iota3A, %sign3A_42 : vector<1x8192xi32>
    %sign3A_44 = arith.extui %sign3A_43 : vector<1x8192xi1> to vector<1x8192xi32>
    %sign3A_45 = arith.subi %sign3A_40, %sign3A_44 : vector<1x8192xi32>
    %sign3A_46 = arith.constant 0 : i32
    %sign3A_47 = arith.cmpi sgt, %jit3A, %sign3A_46 : i32
    %sign3A_48 = arith.extui %sign3A_47 : i1 to i32
    %sign3A_49 = arith.constant 0 : i32
    %sign3A_50 = arith.cmpi slt, %jit3A, %sign3A_49 : i32
    %sign3A_51 = arith.extui %sign3A_50 : i1 to i32
    %sign3A_52 = arith.subi %sign3A_48, %sign3A_51 : i32
    %ne3A = vector.broadcast %sign3A_52 : i32 to vector<1x8192xi32>
    %ne3A_53 = arith.cmpi ne, %sign3A_45, %ne3A : vector<1x8192xi32>
    %rem3A = vector.broadcast %jit3A : i32 to vector<1x8192xi32>
    %rem3A_54 = arith.remsi %iota3A, %rem3A : vector<1x8192xi32>
    %ne3A_55 = arith.constant 0 : i32
    %ne3A_56 = vector.broadcast %ne3A_55 : i32 to vector<1x8192xi32>
    %ne3A_57 = arith.cmpi ne, %rem3A_54, %ne3A_56 : vector<1x8192xi32>
    %and3A = arith.andi %ne3A_53, %ne3A_57 : vector<1x8192xi1>
    %sub3A = arith.constant 1 : i32
    %sub3A_58 = vector.broadcast %sub3A : i32 to vector<1x8192xi32>
    %sub3A_59 = arith.subi %div3A_37, %sub3A_58 : vector<1x8192xi32>
    %select_n3A = arith.select %and3A, %sub3A_59, %div3A_37 : vector<1x8192xi1>, vector<1x8192xi32>
    %jit3A_60 = arith.constant 2 : i32
    %eq3A = arith.constant 0 : i32
    %eq3A_61 = arith.cmpi eq, %jit3A_60, %eq3A : i32
    %jit3A_62 = arith.constant 1 : i32
    %select_n3A_63 = arith.select %eq3A_61, %jit3A_62, %jit3A_60 : i32
    %rem3A_64 = vector.broadcast %select_n3A_63 : i32 to vector<1x8192xi32>
    %rem3A_65 = arith.remsi %select_n3A, %rem3A_64 : vector<1x8192xi32>
    %ne3A_66 = arith.constant 0 : i32
    %ne3A_67 = vector.broadcast %ne3A_66 : i32 to vector<1x8192xi32>
    %ne3A_68 = arith.cmpi ne, %rem3A_65, %ne3A_67 : vector<1x8192xi32>
    %lt3A = arith.constant 0 : i32
    %lt3A_69 = vector.broadcast %lt3A : i32 to vector<1x8192xi32>
    %lt3A_70 = arith.cmpi slt, %rem3A_65, %lt3A_69 : vector<1x8192xi32>
    %lt3A_71 = arith.constant 0 : i32
    %lt3A_72 = arith.cmpi slt, %select_n3A_63, %lt3A_71 : i32
    %ne3A_73 = vector.broadcast %lt3A_72 : i1 to vector<1x8192xi1>
    %ne3A_74 = vector.broadcast %ne3A_73 : vector<1x8192xi1> to vector<1x8192xi1>
    %ne3A_75 = arith.xori %lt3A_70, %ne3A_74 : vector<1x8192xi1>
    %and3A_76 = arith.andi %ne3A_75, %ne3A_68 : vector<1x8192xi1>
    %add3A_77 = vector.broadcast %select_n3A_63 : i32 to vector<1x8192xi32>
    %add3A_78 = arith.addi %rem3A_65, %add3A_77 : vector<1x8192xi32>
    %select_n3A_79 = arith.select %and3A_76, %add3A_78, %rem3A_65 : vector<1x8192xi1>, vector<1x8192xi32>
    %jit3A_80 = arith.constant 4096 : i32
    %div3A_81 = vector.broadcast %jit3A_80 : i32 to vector<1x8192xi32>
    %div3A_82 = arith.divsi %iota3A, %div3A_81 : vector<1x8192xi32>
    %sign3A_83 = arith.constant 0 : i32
    %sign3A_84 = vector.broadcast %sign3A_83 : i32 to vector<1x8192xi32>
    %sign3A_85 = arith.cmpi sgt, %iota3A, %sign3A_84 : vector<1x8192xi32>
    %sign3A_86 = arith.extui %sign3A_85 : vector<1x8192xi1> to vector<1x8192xi32>
    %sign3A_87 = arith.constant 0 : i32
    %sign3A_88 = vector.broadcast %sign3A_87 : i32 to vector<1x8192xi32>
    %sign3A_89 = arith.cmpi slt, %iota3A, %sign3A_88 : vector<1x8192xi32>
    %sign3A_90 = arith.extui %sign3A_89 : vector<1x8192xi1> to vector<1x8192xi32>
    %sign3A_91 = arith.subi %sign3A_86, %sign3A_90 : vector<1x8192xi32>
    %sign3A_92 = arith.constant 0 : i32
    %sign3A_93 = arith.cmpi sgt, %jit3A_80, %sign3A_92 : i32
    %sign3A_94 = arith.extui %sign3A_93 : i1 to i32
    %sign3A_95 = arith.constant 0 : i32
    %sign3A_96 = arith.cmpi slt, %jit3A_80, %sign3A_95 : i32
    %sign3A_97 = arith.extui %sign3A_96 : i1 to i32
    %sign3A_98 = arith.subi %sign3A_94, %sign3A_97 : i32
    %ne3A_99 = vector.broadcast %sign3A_98 : i32 to vector<1x8192xi32>
    %ne3A_100 = arith.cmpi ne, %sign3A_91, %ne3A_99 : vector<1x8192xi32>
    %rem3A_101 = vector.broadcast %jit3A_80 : i32 to vector<1x8192xi32>
    %rem3A_102 = arith.remsi %iota3A, %rem3A_101 : vector<1x8192xi32>
    %ne3A_103 = arith.constant 0 : i32
    %ne3A_104 = vector.broadcast %ne3A_103 : i32 to vector<1x8192xi32>
    %ne3A_105 = arith.cmpi ne, %rem3A_102, %ne3A_104 : vector<1x8192xi32>
    %and3A_106 = arith.andi %ne3A_100, %ne3A_105 : vector<1x8192xi1>
    %sub3A_107 = arith.constant 1 : i32
    %sub3A_108 = vector.broadcast %sub3A_107 : i32 to vector<1x8192xi32>
    %sub3A_109 = arith.subi %div3A_82, %sub3A_108 : vector<1x8192xi32>
    %select_n3A_110 = arith.select %and3A_106, %sub3A_109, %div3A_82 : vector<1x8192xi1>, vector<1x8192xi32>
    %mul3A = arith.constant 2 : i32
    %mul3A_111 = vector.broadcast %mul3A : i32 to vector<1x8192xi32>
    %mul3A_112 = arith.muli %mul3A_111, %select_n3A_110 : vector<1x8192xi32>
    %jit3A_113 = arith.constant 64 : i32
    %eq3A_114 = arith.constant 0 : i32
    %eq3A_115 = arith.cmpi eq, %jit3A_113, %eq3A_114 : i32
    %jit3A_116 = arith.constant 1 : i32
    %select_n3A_117 = arith.select %eq3A_115, %jit3A_116, %jit3A_113 : i32
    %rem3A_118 = vector.broadcast %select_n3A_117 : i32 to vector<1x8192xi32>
    %rem3A_119 = arith.remsi %iota3A, %rem3A_118 : vector<1x8192xi32>
    %ne3A_120 = arith.constant 0 : i32
    %ne3A_121 = vector.broadcast %ne3A_120 : i32 to vector<1x8192xi32>
    %ne3A_122 = arith.cmpi ne, %rem3A_119, %ne3A_121 : vector<1x8192xi32>
    %lt3A_123 = arith.constant 0 : i32
    %lt3A_124 = vector.broadcast %lt3A_123 : i32 to vector<1x8192xi32>
    %lt3A_125 = arith.cmpi slt, %rem3A_119, %lt3A_124 : vector<1x8192xi32>
    %lt3A_126 = arith.constant 0 : i32
    %lt3A_127 = arith.cmpi slt, %select_n3A_117, %lt3A_126 : i32
    %ne3A_128 = vector.broadcast %lt3A_127 : i1 to vector<1x8192xi1>
    %ne3A_129 = vector.broadcast %ne3A_128 : vector<1x8192xi1> to vector<1x8192xi1>
    %ne3A_130 = arith.xori %lt3A_125, %ne3A_129 : vector<1x8192xi1>
    %and3A_131 = arith.andi %ne3A_130, %ne3A_122 : vector<1x8192xi1>
    %add3A_132 = vector.broadcast %select_n3A_117 : i32 to vector<1x8192xi32>
    %add3A_133 = arith.addi %rem3A_119, %add3A_132 : vector<1x8192xi32>
    %select_n3A_134 = arith.select %and3A_131, %add3A_133, %rem3A_119 : vector<1x8192xi1>, vector<1x8192xi32>
    %jit3A_135 = arith.constant 32 : i32
    %div3A_136 = vector.broadcast %jit3A_135 : i32 to vector<1x8192xi32>
    %div3A_137 = arith.divsi %select_n3A_134, %div3A_136 : vector<1x8192xi32>
    %sign3A_138 = arith.constant 0 : i32
    %sign3A_139 = vector.broadcast %sign3A_138 : i32 to vector<1x8192xi32>
    %sign3A_140 = arith.cmpi sgt, %select_n3A_134, %sign3A_139 : vector<1x8192xi32>
    %sign3A_141 = arith.extui %sign3A_140 : vector<1x8192xi1> to vector<1x8192xi32>
    %sign3A_142 = arith.constant 0 : i32
    %sign3A_143 = vector.broadcast %sign3A_142 : i32 to vector<1x8192xi32>
    %sign3A_144 = arith.cmpi slt, %select_n3A_134, %sign3A_143 : vector<1x8192xi32>
    %sign3A_145 = arith.extui %sign3A_144 : vector<1x8192xi1> to vector<1x8192xi32>
    %sign3A_146 = arith.subi %sign3A_141, %sign3A_145 : vector<1x8192xi32>
    %sign3A_147 = arith.constant 0 : i32
    %sign3A_148 = arith.cmpi sgt, %jit3A_135, %sign3A_147 : i32
    %sign3A_149 = arith.extui %sign3A_148 : i1 to i32
    %sign3A_150 = arith.constant 0 : i32
    %sign3A_151 = arith.cmpi slt, %jit3A_135, %sign3A_150 : i32
    %sign3A_152 = arith.extui %sign3A_151 : i1 to i32
    %sign3A_153 = arith.subi %sign3A_149, %sign3A_152 : i32
    %ne3A_154 = vector.broadcast %sign3A_153 : i32 to vector<1x8192xi32>
    %ne3A_155 = arith.cmpi ne, %sign3A_146, %ne3A_154 : vector<1x8192xi32>
    %rem3A_156 = vector.broadcast %jit3A_135 : i32 to vector<1x8192xi32>
    %rem3A_157 = arith.remsi %select_n3A_134, %rem3A_156 : vector<1x8192xi32>
    %ne3A_158 = arith.constant 0 : i32
    %ne3A_159 = vector.broadcast %ne3A_158 : i32 to vector<1x8192xi32>
    %ne3A_160 = arith.cmpi ne, %rem3A_157, %ne3A_159 : vector<1x8192xi32>
    %and3A_161 = arith.andi %ne3A_155, %ne3A_160 : vector<1x8192xi1>
    %sub3A_162 = arith.constant 1 : i32
    %sub3A_163 = vector.broadcast %sub3A_162 : i32 to vector<1x8192xi32>
    %sub3A_164 = arith.subi %div3A_137, %sub3A_163 : vector<1x8192xi32>
    %select_n3A_165 = arith.select %and3A_161, %sub3A_164, %div3A_137 : vector<1x8192xi1>, vector<1x8192xi32>
    %add3A_166 = arith.addi %mul3A_112, %select_n3A_165 : vector<1x8192xi32>
    %mul3A_167 = arith.constant 4 : i32
    %mul3A_168 = vector.broadcast %mul3A_167 : i32 to vector<1x8192xi32>
    %mul3A_169 = arith.muli %mul3A_168, %select_n3A_79 : vector<1x8192xi32>
    %add3A_170 = arith.addi %mul3A_169, %add3A_166 : vector<1x8192xi32>
    %iota3A_171 = tpu.iota {dimensions = array<i32: 0>} : vector<8x8192xi32>
    %jit3A_172 = arith.constant 4 : i32
    %div3A_173 = vector.broadcast %jit3A_172 : i32 to vector<8x8192xi32>
    %div3A_174 = arith.divsi %iota3A_171, %div3A_173 : vector<8x8192xi32>
    %sign3A_175 = arith.constant 0 : i32
    %sign3A_176 = vector.broadcast %sign3A_175 : i32 to vector<8x8192xi32>
    %sign3A_177 = arith.cmpi sgt, %iota3A_171, %sign3A_176 : vector<8x8192xi32>
    %sign3A_178 = arith.extui %sign3A_177 : vector<8x8192xi1> to vector<8x8192xi32>
    %sign3A_179 = arith.constant 0 : i32
    %sign3A_180 = vector.broadcast %sign3A_179 : i32 to vector<8x8192xi32>
    %sign3A_181 = arith.cmpi slt, %iota3A_171, %sign3A_180 : vector<8x8192xi32>
    %sign3A_182 = arith.extui %sign3A_181 : vector<8x8192xi1> to vector<8x8192xi32>
    %sign3A_183 = arith.subi %sign3A_178, %sign3A_182 : vector<8x8192xi32>
    %sign3A_184 = arith.constant 0 : i32
    %sign3A_185 = arith.cmpi sgt, %jit3A_172, %sign3A_184 : i32
    %sign3A_186 = arith.extui %sign3A_185 : i1 to i32
    %sign3A_187 = arith.constant 0 : i32
    %sign3A_188 = arith.cmpi slt, %jit3A_172, %sign3A_187 : i32
    %sign3A_189 = arith.extui %sign3A_188 : i1 to i32
    %sign3A_190 = arith.subi %sign3A_186, %sign3A_189 : i32
    %ne3A_191 = vector.broadcast %sign3A_190 : i32 to vector<8x8192xi32>
    %ne3A_192 = arith.cmpi ne, %sign3A_183, %ne3A_191 : vector<8x8192xi32>
    %rem3A_193 = vector.broadcast %jit3A_172 : i32 to vector<8x8192xi32>
    %rem3A_194 = arith.remsi %iota3A_171, %rem3A_193 : vector<8x8192xi32>
    %ne3A_195 = arith.constant 0 : i32
    %ne3A_196 = vector.broadcast %ne3A_195 : i32 to vector<8x8192xi32>
    %ne3A_197 = arith.cmpi ne, %rem3A_194, %ne3A_196 : vector<8x8192xi32>
    %and3A_198 = arith.andi %ne3A_192, %ne3A_197 : vector<8x8192xi1>
    %sub3A_199 = arith.constant 1 : i32
    %sub3A_200 = vector.broadcast %sub3A_199 : i32 to vector<8x8192xi32>
    %sub3A_201 = arith.subi %div3A_174, %sub3A_200 : vector<8x8192xi32>
    %select_n3A_202 = arith.select %and3A_198, %sub3A_201, %div3A_174 : vector<8x8192xi1>, vector<8x8192xi32>
    %eq3A_203 = vector.broadcast %select_n3A_79 : vector<1x8192xi32> to vector<8x8192xi32>
    %eq3A_204 = arith.cmpi eq, %select_n3A_202, %eq3A_203 : vector<8x8192xi32>
    %eq3A_205 = vector.broadcast %add3A_170 : vector<1x8192xi32> to vector<8x8192xi32>
    %eq3A_206 = arith.cmpi eq, %iota3A_171, %eq3A_205 : vector<8x8192xi32>
    %jit3A_207 = arith.constant 1.000000e+00 : f32
    %jit3A_208 = arith.constant 0.000000e+00 : f32
    %broadcast_in_dim3A = vector.broadcast %jit3A_207 : f32 to vector<8x8192xf32>
    %broadcast_in_dim3A_209 = vector.broadcast %jit3A_208 : f32 to vector<8x8192xf32>
    %select_n3A_210 = arith.select %eq3A_206, %broadcast_in_dim3A, %broadcast_in_dim3A_209 : vector<8x8192xi1>, vector<8x8192xf32>
    %jit3A_211 = arith.constant 4 : i32
    %eq3A_212 = arith.constant 0 : i32
    %eq3A_213 = arith.cmpi eq, %jit3A_211, %eq3A_212 : i32
    %jit3A_214 = arith.constant 1 : i32
    %select_n3A_215 = arith.select %eq3A_213, %jit3A_214, %jit3A_211 : i32
    %rem3A_216 = vector.broadcast %select_n3A_215 : i32 to vector<8x8192xi32>
    %rem3A_217 = arith.remsi %iota3A_171, %rem3A_216 : vector<8x8192xi32>
    %ne3A_218 = arith.constant 0 : i32
    %ne3A_219 = vector.broadcast %ne3A_218 : i32 to vector<8x8192xi32>
    %ne3A_220 = arith.cmpi ne, %rem3A_217, %ne3A_219 : vector<8x8192xi32>
    %lt3A_221 = arith.constant 0 : i32
    %lt3A_222 = vector.broadcast %lt3A_221 : i32 to vector<8x8192xi32>
    %lt3A_223 = arith.cmpi slt, %rem3A_217, %lt3A_222 : vector<8x8192xi32>
    %lt3A_224 = arith.constant 0 : i32
    %lt3A_225 = arith.cmpi slt, %select_n3A_215, %lt3A_224 : i32
    %ne3A_226 = vector.broadcast %lt3A_225 : i1 to vector<8x8192xi1>
    %ne3A_227 = vector.broadcast %ne3A_226 : vector<8x8192xi1> to vector<8x8192xi1>
    %ne3A_228 = arith.xori %lt3A_223, %ne3A_227 : vector<8x8192xi1>
    %and3A_229 = arith.andi %ne3A_228, %ne3A_220 : vector<8x8192xi1>
    %add3A_230 = vector.broadcast %select_n3A_215 : i32 to vector<8x8192xi32>
    %add3A_231 = arith.addi %rem3A_217, %add3A_230 : vector<8x8192xi32>
    %select_n3A_232 = arith.select %and3A_229, %add3A_231, %rem3A_217 : vector<8x8192xi1>, vector<8x8192xi32>
    %sub3A_233 = vector.broadcast %add3A_166 : vector<1x8192xi32> to vector<8x8192xi32>
    %sub3A_234 = arith.subi %select_n3A_232, %sub3A_233 : vector<8x8192xi32>
    %abs3A = math.absi %sub3A_234 : vector<8x8192xi32>
    %eq3A_235 = arith.constant 1 : i32
    %eq3A_236 = vector.broadcast %eq3A_235 : i32 to vector<8x8192xi32>
    %eq3A_237 = arith.cmpi eq, %abs3A, %eq3A_236 : vector<8x8192xi32>
    %and3A_238 = arith.andi %eq3A_204, %eq3A_237 : vector<8x8192xi1>
    %jit3A_239 = arith.constant 1.000000e+00 : f32
    %jit3A_240 = arith.constant 0.000000e+00 : f32
    %broadcast_in_dim3A_241 = vector.broadcast %jit3A_239 : f32 to vector<8x8192xf32>
    %broadcast_in_dim3A_242 = vector.broadcast %jit3A_240 : f32 to vector<8x8192xf32>
    %select_n3A_243 = arith.select %eq3A_204, %broadcast_in_dim3A_241, %broadcast_in_dim3A_242 : vector<8x8192xi1>, vector<8x8192xf32>
    %jit3A_244 = arith.constant 2.000000e+00 : f32
    %broadcast_in_dim3A_245 = vector.broadcast %jit3A_244 : f32 to vector<8x8192xf32>
    %select_n3A_246 = arith.select %and3A_238, %broadcast_in_dim3A_245, %select_n3A_243 : vector<8x8192xi1>, vector<8x8192xf32>
    %dot_general3A_247 = arith.constant dense<0.000000e+00> : vector<8x96xf32>
    %dot_general3A_248 = tpu.matmul %select_n3A_210, %reshape3A_11, %dot_general3A_247 {dimension_numbers = #tpu.dot_dimension_numbers<[1], [1], [0], [0], [0, 0, 1, 0], [], []>, transpose_lhs_hint = false} : vector<8x8192xf32>, vector<96x8192xf32>, vector<8x96xf32> -> vector<8x96xf32>
    %mul3A_249 = arith.constant 9.765625E-4 : f32
    %mul3A_250 = vector.broadcast %mul3A_249 : f32 to vector<8x96xf32>
    %mul3A_251 = arith.mulf %dot_general3A_248, %mul3A_250 : vector<8x96xf32>
    %dot_general3A_252 = arith.constant dense<0.000000e+00> : vector<8x96xf32>
    %dot_general3A_253 = tpu.matmul %select_n3A_210, %add3A_26, %dot_general3A_252 {dimension_numbers = #tpu.dot_dimension_numbers<[1], [1], [0], [0], [0, 0, 1, 0], [], []>, transpose_lhs_hint = false} : vector<8x8192xf32>, vector<96x8192xf32>, vector<8x96xf32> -> vector<8x96xf32>
    %mul3A_254 = arith.constant 9.765625E-4 : f32
    %mul3A_255 = vector.broadcast %mul3A_254 : f32 to vector<8x96xf32>
    %mul3A_256 = arith.mulf %dot_general3A_253, %mul3A_255 : vector<8x96xf32>
    %dot_general3A_257 = arith.constant dense<0.000000e+00> : vector<8x96xf32>
    %dot_general3A_258 = tpu.matmul %select_n3A_210, %add3A_36, %dot_general3A_257 {dimension_numbers = #tpu.dot_dimension_numbers<[1], [1], [0], [0], [0, 0, 1, 0], [], []>, transpose_lhs_hint = false} : vector<8x8192xf32>, vector<96x8192xf32>, vector<8x96xf32> -> vector<8x96xf32>
    %mul3A_259 = arith.constant 9.765625E-4 : f32
    %mul3A_260 = vector.broadcast %mul3A_259 : f32 to vector<8x96xf32>
    %mul3A_261 = arith.mulf %dot_general3A_258, %mul3A_260 : vector<8x96xf32>
    %mul3A_262 = arith.mulf %reshape3A_11, %reshape3A_11 : vector<96x8192xf32>
    %reduce_sum3A = arith.constant dense<0.000000e+00> : vector<8192xf32>
    %reduce_sum3A_263 = vector.multi_reduction <add>, %mul3A_262, %reduce_sum3A [0] : vector<96x8192xf32> to vector<8192xf32>
    %broadcast_in_dim3A_264 = vector.shape_cast %reduce_sum3A_263 : vector<8192xf32> to vector<1x8192xf32>
    %mul3A_265 = arith.mulf %add3A_26, %add3A_26 : vector<96x8192xf32>
    %reduce_sum3A_266 = arith.constant dense<0.000000e+00> : vector<8192xf32>
    %reduce_sum3A_267 = vector.multi_reduction <add>, %mul3A_265, %reduce_sum3A_266 [0] : vector<96x8192xf32> to vector<8192xf32>
    %broadcast_in_dim3A_268 = vector.shape_cast %reduce_sum3A_267 : vector<8192xf32> to vector<1x8192xf32>
    %mul3A_269 = arith.mulf %add3A_36, %add3A_36 : vector<96x8192xf32>
    %reduce_sum3A_270 = arith.constant dense<0.000000e+00> : vector<8192xf32>
    %reduce_sum3A_271 = vector.multi_reduction <add>, %mul3A_269, %reduce_sum3A_270 [0] : vector<96x8192xf32> to vector<8192xf32>
    %broadcast_in_dim3A_272 = vector.shape_cast %reduce_sum3A_271 : vector<8192xf32> to vector<1x8192xf32>
    %mul3A_273 = arith.mulf %mul3A_256, %mul3A_256 : vector<8x96xf32>
    %reduce_sum3A_274 = arith.constant dense<0.000000e+00> : vector<8xf32>
    %reduce_sum3A_275 = vector.multi_reduction <add>, %mul3A_273, %reduce_sum3A_274 [1] : vector<8x96xf32> to vector<8xf32>
    %broadcast_in_dim3A_276 = vector.shape_cast %reduce_sum3A_275 : vector<8xf32> to vector<8x1xf32>
    %dot_general3A_277 = arith.constant dense<0.000000e+00> : vector<8x8192xf32>
    %dot_general3A_278 = tpu.matmul %mul3A_256, %add3A_26, %dot_general3A_277 {dimension_numbers = #tpu.dot_dimension_numbers<[1], [0], [0], [1], [0, 0, 1, 1], [], []>, transpose_lhs_hint = false} : vector<8x96xf32>, vector<96x8192xf32>, vector<8x8192xf32> -> vector<8x8192xf32>
    %add3A_279 = vector.broadcast %broadcast_in_dim3A_268 : vector<1x8192xf32> to vector<8x8192xf32>
    %add3A_280 = vector.broadcast %broadcast_in_dim3A_276 : vector<8x1xf32> to vector<8x8192xf32>
    %add3A_281 = arith.addf %add3A_279, %add3A_280 : vector<8x8192xf32>
    %mul3A_282 = arith.constant 2.000000e+00 : f32
    %mul3A_283 = vector.broadcast %mul3A_282 : f32 to vector<8x8192xf32>
    %mul3A_284 = arith.mulf %mul3A_283, %dot_general3A_278 : vector<8x8192xf32>
    %sub3A_285 = arith.subf %add3A_281, %mul3A_284 : vector<8x8192xf32>
    %mul3A_286 = arith.mulf %mul3A_261, %mul3A_261 : vector<8x96xf32>
    %reduce_sum3A_287 = arith.constant dense<0.000000e+00> : vector<8xf32>
    %reduce_sum3A_288 = vector.multi_reduction <add>, %mul3A_286, %reduce_sum3A_287 [1] : vector<8x96xf32> to vector<8xf32>
    %broadcast_in_dim3A_289 = vector.shape_cast %reduce_sum3A_288 : vector<8xf32> to vector<8x1xf32>
    %dot_general3A_290 = arith.constant dense<0.000000e+00> : vector<8x8192xf32>
    %dot_general3A_291 = tpu.matmul %mul3A_261, %add3A_36, %dot_general3A_290 {dimension_numbers = #tpu.dot_dimension_numbers<[1], [0], [0], [1], [0, 0, 1, 1], [], []>, transpose_lhs_hint = false} : vector<8x96xf32>, vector<96x8192xf32>, vector<8x8192xf32> -> vector<8x8192xf32>
    %add3A_292 = vector.broadcast %broadcast_in_dim3A_272 : vector<1x8192xf32> to vector<8x8192xf32>
    %add3A_293 = vector.broadcast %broadcast_in_dim3A_289 : vector<8x1xf32> to vector<8x8192xf32>
    %add3A_294 = arith.addf %add3A_292, %add3A_293 : vector<8x8192xf32>
    %mul3A_295 = arith.constant 2.000000e+00 : f32
    %mul3A_296 = vector.broadcast %mul3A_295 : f32 to vector<8x8192xf32>
    %mul3A_297 = arith.mulf %mul3A_296, %dot_general3A_291 : vector<8x8192xf32>
    %sub3A_298 = arith.subf %add3A_294, %mul3A_297 : vector<8x8192xf32>
    %mul3A_299 = arith.mulf %mul3A_251, %mul3A_251 : vector<8x96xf32>
    %reduce_sum3A_300 = arith.constant dense<0.000000e+00> : vector<8xf32>
    %reduce_sum3A_301 = vector.multi_reduction <add>, %mul3A_299, %reduce_sum3A_300 [1] : vector<8x96xf32> to vector<8xf32>
    %broadcast_in_dim3A_302 = vector.shape_cast %reduce_sum3A_301 : vector<8xf32> to vector<8x1xf32>
    %dot_general3A_303 = arith.constant dense<0.000000e+00> : vector<8x8192xf32>
    %dot_general3A_304 = tpu.matmul %mul3A_251, %reshape3A_11, %dot_general3A_303 {dimension_numbers = #tpu.dot_dimension_numbers<[1], [0], [0], [1], [0, 0, 1, 1], [], []>, transpose_lhs_hint = false} : vector<8x96xf32>, vector<96x8192xf32>, vector<8x8192xf32> -> vector<8x8192xf32>
    %add3A_305 = vector.broadcast %broadcast_in_dim3A_264 : vector<1x8192xf32> to vector<8x8192xf32>
    %add3A_306 = vector.broadcast %broadcast_in_dim3A_302 : vector<8x1xf32> to vector<8x8192xf32>
    %add3A_307 = arith.addf %add3A_305, %add3A_306 : vector<8x8192xf32>
    %mul3A_308 = arith.constant 2.000000e+00 : f32
    %mul3A_309 = vector.broadcast %mul3A_308 : f32 to vector<8x8192xf32>
    %mul3A_310 = arith.mulf %mul3A_309, %dot_general3A_304 : vector<8x8192xf32>
    %sub3A_311 = arith.subf %add3A_307, %mul3A_310 : vector<8x8192xf32>
    %add3A_312 = arith.addf %sub3A_311, %sub3A_285 : vector<8x8192xf32>
    %add3A_313 = arith.addf %add3A_312, %sub3A_298 : vector<8x8192xf32>
    %jit3A_314 = arith.constant 1.000000e+16 : f32
    %broadcast_in_dim3A_315 = vector.broadcast %jit3A_314 : f32 to vector<8x8192xf32>
    %select_n3A_316 = arith.select %eq3A_204, %add3A_313, %broadcast_in_dim3A_315 : vector<8x8192xi1>, vector<8x8192xf32>
    %reduce_min3A = arith.constant dense<0x7F800000> : vector<8192xf32>
    %reduce_min3A_317 = vector.multi_reduction <minimumf>, %select_n3A_316, %reduce_min3A [0] : vector<8x8192xf32> to vector<8192xf32>
    %broadcast_in_dim3A_318 = vector.shape_cast %reduce_min3A_317 : vector<8192xf32> to vector<1x8192xf32>
    %sub3A_319 = vector.broadcast %broadcast_in_dim3A_318 : vector<1x8192xf32> to vector<8x8192xf32>
    %sub3A_320 = arith.subf %sub3A_319, %select_n3A_316 : vector<8x8192xf32>
    %exp3A = math.exp %sub3A_320 : vector<8x8192xf32>
    %mul3A_321 = arith.mulf %select_n3A_246, %exp3A : vector<8x8192xf32>
    %reduce_sum3A_322 = arith.constant dense<0.000000e+00> : vector<8192xf32>
    %reduce_sum3A_323 = vector.multi_reduction <add>, %mul3A_321, %reduce_sum3A_322 [0] : vector<8x8192xf32> to vector<8192xf32>
    %broadcast_in_dim3A_324 = vector.shape_cast %reduce_sum3A_323 : vector<8192xf32> to vector<1x8192xf32>
    %div3A_325 = vector.broadcast %broadcast_in_dim3A_324 : vector<1x8192xf32> to vector<8x8192xf32>
    %div3A_326 = arith.divf %mul3A_321, %div3A_325 : vector<8x8192xf32>
    %dot_general3A_327 = arith.constant dense<0.000000e+00> : vector<8x96xf32>
    %dot_general3A_328 = tpu.matmul %div3A_326, %reshape3A_11, %dot_general3A_327 {dimension_numbers = #tpu.dot_dimension_numbers<[1], [1], [0], [0], [0, 0, 1, 0], [], []>, transpose_lhs_hint = false} : vector<8x8192xf32>, vector<96x8192xf32>, vector<8x96xf32> -> vector<8x96xf32>
    %reduce_sum3A_329 = arith.constant dense<0.000000e+00> : vector<8xf32>
    %reduce_sum3A_330 = vector.multi_reduction <add>, %div3A_326, %reduce_sum3A_329 [1] : vector<8x8192xf32> to vector<8xf32>
    %broadcast_in_dim3A_331 = vector.shape_cast %reduce_sum3A_330 : vector<8xf32> to vector<8x1xf32>
    %add3A_332 = arith.constant 1.000000e-16 : f32
    %add3A_333 = vector.broadcast %add3A_332 : f32 to vector<8x1xf32>
    %add3A_334 = arith.addf %broadcast_in_dim3A_331, %add3A_333 : vector<8x1xf32>
    %div3A_335 = vector.broadcast %add3A_334 : vector<8x1xf32> to vector<8x96xf32>
    %div3A_336 = arith.divf %dot_general3A_328, %div3A_335 : vector<8x96xf32>
    %mul3A_337 = arith.mulf %div3A_336, %div3A_336 : vector<8x96xf32>
    %reduce_sum3A_338 = arith.constant dense<0.000000e+00> : vector<8xf32>
    %reduce_sum3A_339 = vector.multi_reduction <add>, %mul3A_337, %reduce_sum3A_338 [1] : vector<8x96xf32> to vector<8xf32>
    %broadcast_in_dim3A_340 = vector.shape_cast %reduce_sum3A_339 : vector<8xf32> to vector<8x1xf32>
    %dot_general3A_341 = arith.constant dense<0.000000e+00> : vector<8x8192xf32>
    %dot_general3A_342 = tpu.matmul %div3A_336, %reshape3A_11, %dot_general3A_341 {dimension_numbers = #tpu.dot_dimension_numbers<[1], [0], [0], [1], [0, 0, 1, 1], [], []>, transpose_lhs_hint = false} : vector<8x96xf32>, vector<96x8192xf32>, vector<8x8192xf32> -> vector<8x8192xf32>
    %add3A_343 = vector.broadcast %broadcast_in_dim3A_264 : vector<1x8192xf32> to vector<8x8192xf32>
    %add3A_344 = vector.broadcast %broadcast_in_dim3A_340 : vector<8x1xf32> to vector<8x8192xf32>
    %add3A_345 = arith.addf %add3A_343, %add3A_344 : vector<8x8192xf32>
    %mul3A_346 = arith.constant 2.000000e+00 : f32
    %mul3A_347 = vector.broadcast %mul3A_346 : f32 to vector<8x8192xf32>
    %mul3A_348 = arith.mulf %mul3A_347, %dot_general3A_342 : vector<8x8192xf32>
    %sub3A_349 = arith.subf %add3A_345, %mul3A_348 : vector<8x8192xf32>
    %add3A_350 = arith.addf %sub3A_349, %sub3A_285 : vector<8x8192xf32>
    %add3A_351 = arith.addf %add3A_350, %sub3A_298 : vector<8x8192xf32>
    %jit3A_352 = arith.constant 1.000000e+16 : f32
    %broadcast_in_dim3A_353 = vector.broadcast %jit3A_352 : f32 to vector<8x8192xf32>
    %select_n3A_354 = arith.select %eq3A_204, %add3A_351, %broadcast_in_dim3A_353 : vector<8x8192xi1>, vector<8x8192xf32>
    %reduce_min3A_355 = arith.constant dense<0x7F800000> : vector<8192xf32>
    %reduce_min3A_356 = vector.multi_reduction <minimumf>, %select_n3A_354, %reduce_min3A_355 [0] : vector<8x8192xf32> to vector<8192xf32>
    %broadcast_in_dim3A_357 = vector.shape_cast %reduce_min3A_356 : vector<8192xf32> to vector<1x8192xf32>
    %sub3A_358 = vector.broadcast %broadcast_in_dim3A_357 : vector<1x8192xf32> to vector<8x8192xf32>
    %sub3A_359 = arith.subf %sub3A_358, %select_n3A_354 : vector<8x8192xf32>
    %exp3A_360 = math.exp %sub3A_359 : vector<8x8192xf32>
    %mul3A_361 = arith.mulf %select_n3A_246, %exp3A_360 : vector<8x8192xf32>
    %reduce_sum3A_362 = arith.constant dense<0.000000e+00> : vector<8192xf32>
    %reduce_sum3A_363 = vector.multi_reduction <add>, %mul3A_361, %reduce_sum3A_362 [0] : vector<8x8192xf32> to vector<8192xf32>
    %broadcast_in_dim3A_364 = vector.shape_cast %reduce_sum3A_363 : vector<8192xf32> to vector<1x8192xf32>
    %div3A_365 = vector.broadcast %broadcast_in_dim3A_364 : vector<1x8192xf32> to vector<8x8192xf32>
    %div3A_366 = arith.divf %mul3A_361, %div3A_365 : vector<8x8192xf32>
    %reduce_max3A = arith.constant dense<0xFF800000> : vector<8192xf32>
    %reduce_max3A_367 = vector.multi_reduction <maximumf>, %div3A_366, %reduce_max3A [0] : vector<8x8192xf32> to vector<8192xf32>
    %broadcast_in_dim3A_368 = vector.shape_cast %reduce_max3A_367 : vector<8192xf32> to vector<1x8192xf32>
    %eq3A_369 = vector.broadcast %broadcast_in_dim3A_368 : vector<1x8192xf32> to vector<8x8192xf32>
    %eq3A_370 = arith.cmpf oeq, %div3A_366, %eq3A_369 : vector<8x8192xf32>
    %jit3A_371 = arith.constant 8 : i32
    %broadcast_in_dim3A_372 = vector.broadcast %jit3A_371 : i32 to vector<8x8192xi32>
    %select_n3A_373 = arith.select %eq3A_370, %iota3A_171, %broadcast_in_dim3A_372 : vector<8x8192xi1>, vector<8x8192xi32>
    %reduce_min3A_374 = arith.constant dense<2147483647> : vector<8192xi32>
    %reduce_min3A_375 = vector.multi_reduction <minsi>, %select_n3A_373, %reduce_min3A_374 [0] : vector<8x8192xi32> to vector<8192xi32>
    %broadcast_in_dim3A_376 = vector.shape_cast %reduce_min3A_375 : vector<8192xi32> to vector<1x8192xi32>
    %eq3A_377 = vector.broadcast %broadcast_in_dim3A_376 : vector<1x8192xi32> to vector<8x8192xi32>
    %eq3A_378 = arith.cmpi eq, %iota3A_171, %eq3A_377 : vector<8x8192xi32>
    %jit3A_379 = arith.constant 1.000000e+00 : f32
    %jit3A_380 = arith.constant 0.000000e+00 : f32
    %broadcast_in_dim3A_381 = vector.broadcast %jit3A_379 : f32 to vector<8x8192xf32>
    %broadcast_in_dim3A_382 = vector.broadcast %jit3A_380 : f32 to vector<8x8192xf32>
    %select_n3A_383 = arith.select %eq3A_378, %broadcast_in_dim3A_381, %broadcast_in_dim3A_382 : vector<8x8192xi1>, vector<8x8192xf32>
    %mul3A_384 = arith.mulf %div3A_366, %select_n3A_383 : vector<8x8192xf32>
    %dot_general3A_385 = arith.constant dense<0.000000e+00> : vector<8x96xf32>
    %dot_general3A_386 = tpu.matmul %mul3A_384, %reshape3A_11, %dot_general3A_385 {dimension_numbers = #tpu.dot_dimension_numbers<[1], [1], [0], [0], [0, 0, 1, 0], [], []>, transpose_lhs_hint = false} : vector<8x8192xf32>, vector<96x8192xf32>, vector<8x96xf32> -> vector<8x96xf32>
    %add3A_387 = arith.addf %dot_general3A_386, %mul3A_251 : vector<8x96xf32>
    %reduce_sum3A_388 = arith.constant dense<0.000000e+00> : vector<8xf32>
    %reduce_sum3A_389 = vector.multi_reduction <add>, %mul3A_384, %reduce_sum3A_388 [1] : vector<8x8192xf32> to vector<8xf32>
    %broadcast_in_dim3A_390 = vector.shape_cast %reduce_sum3A_389 : vector<8xf32> to vector<8x1xf32>
    %add3A_391 = arith.constant 1.000000e+00 : f32
    %add3A_392 = vector.broadcast %add3A_391 : f32 to vector<8x1xf32>
    %add3A_393 = arith.addf %broadcast_in_dim3A_390, %add3A_392 : vector<8x1xf32>
    %div3A_394 = vector.broadcast %add3A_393 : vector<8x1xf32> to vector<8x96xf32>
    %div3A_395 = arith.divf %add3A_387, %div3A_394 : vector<8x96xf32>
    %swap3A = arith.constant 0 : index
    %swap3A_396 = arith.constant 0 : index
    %swap3A_397 = arith.constant 0 : index
    %swap3A_398 = arith.constant 0 : index
    %swap3A_399 = vector.load %arg9[%swap3A, %swap3A_396, %swap3A_397, %swap3A_398] : memref<1x1x8x96xf32, #tpu.memory_space<vmem>>, vector<1x1x8x96xf32>
    %swap3A_400 = vector.shape_cast %swap3A_399 : vector<1x1x8x96xf32> to vector<8x96xf32>
    %swap3A_401 = vector.shape_cast %div3A_395 : vector<8x96xf32> to vector<1x1x8x96xf32>
    tpu.vector_store %arg9[%swap3A, %swap3A_396, %swap3A_397, %swap3A_398], %swap3A_401 {strides = array<i32>} : memref<1x1x8x96xf32, #tpu.memory_space<vmem>>, vector<1x1x8x96xf32>,
    %mul3A_402 = arith.constant 8 : i32
    %mul3A_403 = arith.muli %arg0, %mul3A_402 : i32
    %mul3A_404 = arith.constant 2 : i32
    %mul3A_405 = arith.muli %arg1, %mul3A_404 : i32
    %add3A_406 = arith.addi %mul3A_403, %mul3A_405 : i32
    %convert_element_type3A = arith.sitofp %broadcast_in_dim3A_376 : vector<1x8192xi32> to vector<1x8192xf32>
    %mul3A_407 = arith.constant 4 : i32
    %mul3A_408 = arith.muli %add3A_406, %mul3A_407 : i32
    %convert_element_type3A_409 = arith.sitofp %mul3A_408 : i32 to f32
    %add3A_410 = vector.broadcast %convert_element_type3A_409 : f32 to vector<1x8192xf32>
    %add3A_411 = arith.addf %convert_element_type3A, %add3A_410 : vector<1x8192xf32>
    %swap3A_412 = arith.constant 0 : index
    %swap3A_413 = arith.constant 0 : index
    %swap3A_414 = arith.constant 0 : index
    %swap3A_415 = arith.constant 0 : index
    %swap3A_416 = vector.load %arg10[%swap3A_412, %swap3A_413, %swap3A_414, %swap3A_415] : memref<1x1x1x8192xf32, #tpu.memory_space<vmem>>, vector<1x1x1x8192xf32>
    %swap3A_417 = vector.shape_cast %swap3A_416 : vector<1x1x1x8192xf32> to vector<1x8192xf32>
    %swap3A_418 = vector.shape_cast %add3A_411 : vector<1x8192xf32> to vector<1x1x1x8192xf32>
    tpu.vector_store %arg10[%swap3A_412, %swap3A_413, %swap3A_414, %swap3A_415], %swap3A_418 {strides = array<i32>} : memref<1x1x1x8192xf32, #tpu.memory_space<vmem>>, vector<1x1x1x8192xf32>,
    return
  }
  func.func @transform_0(%arg0: i32, %arg1: i32) -> (i32, i32, i32, i32) {
    %c1_i32 = arith.constant 1 : i32
    %c0_i32 = arith.constant 0 : i32
    %c0_i32_0 = arith.constant 0 : i32
    return %c1_i32, %c0_i32, %arg0, %arg1 : i32, i32, i32, i32
  }
  func.func @transform_1(%arg0: i32, %arg1: i32) -> (i32, i32, i32, i32) {
    %c1_i32 = arith.constant 1 : i32
    %c0_i32 = arith.constant 0 : i32
    %c0_i32_0 = arith.constant 0 : i32
    return %c1_i32, %c0_i32, %arg0, %arg1 : i32, i32, i32, i32
  }
  func.func @transform_2(%arg0: i32, %arg1: i32) -> (i32, i32, i32, i32) {
    %c1_i32 = arith.constant 1 : i32
    %c0_i32 = arith.constant 0 : i32
    %c0_i32_0 = arith.constant 0 : i32
    return %c1_i32, %c0_i32, %arg0, %arg1 : i32, i32, i32, i32
  }
  func.func @transform_3(%arg0: i32, %arg1: i32) -> (i32, i32) {
    %c0_i32 = arith.constant 0 : i32
    %c0_i32_0 = arith.constant 0 : i32
    %c0_i32_1 = arith.constant 0 : i32
    return %c0_i32, %c0_i32_0 : i32, i32
  }
  func.func @transform_4(%arg0: i32, %arg1: i32) -> (i32, i32) {
    %c0_i32 = arith.constant 0 : i32
    %c0_i32_0 = arith.constant 0 : i32
    %c0_i32_1 = arith.constant 0 : i32
    return %c0_i32, %c0_i32_0 : i32, i32
  }
  func.func @transform_5(%arg0: i32, %arg1: i32) -> (i32, i32) {
    %c0_i32 = arith.constant 0 : i32
    %c0_i32_0 = arith.constant 0 : i32
    %c0_i32_1 = arith.constant 0 : i32
    return %c0_i32, %c0_i32_0 : i32, i32
  }
  func.func @transform_6(%arg0: i32, %arg1: i32) -> (i32, i32) {
    %c0_i32 = arith.constant 0 : i32
    %c0_i32_0 = arith.constant 0 : i32
    %c0_i32_1 = arith.constant 0 : i32
    return %c0_i32, %c0_i32_0 : i32, i32
  }
  func.func @transform_7(%arg0: i32, %arg1: i32) -> (i32, i32, i32, i32) {
    %mul3A = arith.constant 4 : i32
    %mul3A_0 = arith.muli %arg0, %mul3A : i32
    %add3A = arith.addi %mul3A_0, %arg1 : i32
    %c0_i32 = arith.constant 0 : i32
    %c0_i32_1 = arith.constant 0 : i32
    %c0_i32_2 = arith.constant 0 : i32
    %c0_i32_3 = arith.constant 0 : i32
    return %c0_i32, %add3A, %c0_i32_1, %c0_i32_2 : i32, i32, i32, i32
  }
  func.func @transform_8(%arg0: i32, %arg1: i32) -> (i32, i32, i32, i32) {
    %mul3A = arith.constant 4 : i32
    %mul3A_0 = arith.muli %arg0, %mul3A : i32
    %add3A = arith.addi %mul3A_0, %arg1 : i32
    %c0_i32 = arith.constant 0 : i32
    %c0_i32_1 = arith.constant 0 : i32
    %c0_i32_2 = arith.constant 0 : i32
    %c0_i32_3 = arith.constant 0 : i32
    return %c0_i32, %add3A, %c0_i32_1, %c0_i32_2 : i32, i32, i32, i32
  }
}

module attributes {stable_mosaic.version = 14 : i64} {
  func.func @_tile_kernel(%arg0: i32, %arg1: i32, %arg2: memref<1x97x64x128xf32, #tpu.memory_space<vmem>>, %arg3: memref<1x96x64x128xf32, #tpu.memory_space<vmem>>, %arg4: memref<1x96x64x128xf32, #tpu.memory_space<vmem>>, %arg5: memref<97x96xf32, #tpu.memory_space<vmem>>, %arg6: memref<96x1xf32, #tpu.memory_space<vmem>>, %arg7: memref<96x96xf32, #tpu.memory_space<vmem>>, %arg8: memref<96x1xf32, #tpu.memory_space<vmem>>, %arg9: memref<1x1x8x96xf32, #tpu.memory_space<vmem>>, %arg10: memref<1x1x1x8192xf32, #tpu.memory_space<vmem>>) attributes {dimension_semantics = [#tpu.dimension_semantics<parallel>, #tpu.dimension_semantics<parallel>], iteration_bounds = array<i64: 8, 4>, scalar_prefetch = 0 : i64, scratch_operands = 0 : i64, tpu.core_type = #tpu.core_type<tc>, window_params = [{transform_indices = @transform_0, window_bounds = array<i64: 1, 97, 64, 128>}, {transform_indices = @transform_1, window_bounds = array<i64: 1, 96, 64, 128>}, {transform_indices = @transform_2, window_bounds = array<i64: 1, 96, 64, 128>}, {pipeline_mode = #tpu.pipeline_mode<synchronous>, transform_indices = @transform_3, window_bounds = array<i64: 97, 96>}, {pipeline_mode = #tpu.pipeline_mode<synchronous>, transform_indices = @transform_4, window_bounds = array<i64: 96, 1>}, {pipeline_mode = #tpu.pipeline_mode<synchronous>, transform_indices = @transform_5, window_bounds = array<i64: 96, 96>}, {pipeline_mode = #tpu.pipeline_mode<synchronous>, transform_indices = @transform_6, window_bounds = array<i64: 96, 1>}, {transform_indices = @transform_7, window_bounds = array<i64: 1, 1, 8, 96>}, {transform_indices = @transform_8, window_bounds = array<i64: 1, 1, 1, 8192>}]} {
    %get3A = arith.constant 0 : index
    %get3A_0 = arith.constant 0 : index
    %get3A_1 = arith.constant 0 : index
    %get3A_2 = arith.constant 0 : index
    %get3A_3 = vector.load %arg2[%get3A, %get3A_0, %get3A_1, %get3A_2] : memref<1x97x64x128xf32, #tpu.memory_space<vmem>>, vector<1x97x64x128xf32>
    %get3A_4 = vector.shape_cast %get3A_3 : vector<1x97x64x128xf32> to vector<97x64x128xf32>
    %reshape3A = vector.shape_cast %get3A_4 : vector<97x64x128xf32> to vector<97x8192xf32>
    %get3A_5 = arith.constant 0 : index
    %get3A_6 = arith.constant 0 : index
    %get3A_7 = arith.constant 0 : index
    %get3A_8 = arith.constant 0 : index
    %get3A_9 = vector.load %arg3[%get3A_5, %get3A_6, %get3A_7, %get3A_8] : memref<1x96x64x128xf32, #tpu.memory_space<vmem>>, vector<1x96x64x128xf32>
    %get3A_10 = vector.shape_cast %get3A_9 : vector<1x96x64x128xf32> to vector<96x64x128xf32>
    %reshape3A_11 = vector.shape_cast %get3A_10 : vector<96x64x128xf32> to vector<96x8192xf32>
    %get3A_12 = arith.constant 0 : index
    %get3A_13 = arith.constant 0 : index
    %get3A_14 = arith.constant 0 : index
    %get3A_15 = arith.constant 0 : index
    %get3A_16 = vector.load %arg4[%get3A_12, %get3A_13, %get3A_14, %get3A_15] : memref<1x96x64x128xf32, #tpu.memory_space<vmem>>, vector<1x96x64x128xf32>
    %get3A_17 = vector.shape_cast %get3A_16 : vector<1x96x64x128xf32> to vector<96x64x128xf32>
    %reshape3A_18 = vector.shape_cast %get3A_17 : vector<96x64x128xf32> to vector<96x8192xf32>
    %get3A_19 = arith.constant 0 : index
    %get3A_20 = arith.constant 0 : index
    %get3A_21 = vector.load %arg5[%get3A_19, %get3A_20] : memref<97x96xf32, #tpu.memory_space<vmem>>, vector<97x96xf32>
    %dot_general3A = arith.constant dense<0.000000e+00> : vector<96x8192xf32>
    %dot_general3A_22 = tpu.matmul %get3A_21, %reshape3A, %dot_general3A {dimension_numbers = #tpu.dot_dimension_numbers<[0], [0], [1], [1], [0, 1, 1, 1], [], []>, transpose_lhs_hint = false} : vector<97x96xf32>, vector<97x8192xf32>, vector<96x8192xf32> -> vector<96x8192xf32>
    %get3A_23 = arith.constant 0 : index
    %get3A_24 = arith.constant 0 : index
    %get3A_25 = vector.load %arg6[%get3A_23, %get3A_24] : memref<96x1xf32, #tpu.memory_space<vmem>>, vector<96x1xf32>
    %add3A = vector.broadcast %get3A_25 : vector<96x1xf32> to vector<96x8192xf32>
    %add3A_26 = arith.addf %dot_general3A_22, %add3A : vector<96x8192xf32>
    %get3A_27 = arith.constant 0 : index
    %get3A_28 = arith.constant 0 : index
    %get3A_29 = vector.load %arg7[%get3A_27, %get3A_28] : memref<96x96xf32, #tpu.memory_space<vmem>>, vector<96x96xf32>
    %dot_general3A_30 = arith.constant dense<0.000000e+00> : vector<96x8192xf32>
    %dot_general3A_31 = tpu.matmul %get3A_29, %reshape3A_18, %dot_general3A_30 {dimension_numbers = #tpu.dot_dimension_numbers<[0], [0], [1], [1], [0, 1, 1, 1], [], []>, transpose_lhs_hint = false} : vector<96x96xf32>, vector<96x8192xf32>, vector<96x8192xf32> -> vector<96x8192xf32>
    %get3A_32 = arith.constant 0 : index
    %get3A_33 = arith.constant 0 : index
    %get3A_34 = vector.load %arg8[%get3A_32, %get3A_33] : memref<96x1xf32, #tpu.memory_space<vmem>>, vector<96x1xf32>
    %add3A_35 = vector.broadcast %get3A_34 : vector<96x1xf32> to vector<96x8192xf32>
    %add3A_36 = arith.addf %dot_general3A_31, %add3A_35 : vector<96x8192xf32>
    %iota3A = tpu.iota {dimensions = array<i32: 1>} : vector<1x8192xi32>
    %jit3A = arith.constant 64 : i32
    %div3A = vector.broadcast %jit3A : i32 to vector<1x8192xi32>
    %div3A_37 = arith.divsi %iota3A, %div3A : vector<1x8192xi32>
    %sign3A = arith.constant 0 : i32
    %sign3A_38 = vector.broadcast %sign3A : i32 to vector<1x8192xi32>
    %sign3A_39 = arith.cmpi sgt, %iota3A, %sign3A_38 : vector<1x8192xi32>
    %sign3A_40 = arith.extui %sign3A_39 : vector<1x8192xi1> to vector<1x8192xi32>
    %sign3A_41 = arith.constant 0 : i32
    %sign3A_42 = vector.broadcast %sign3A_41 : i32 to vector<1x8192xi32>
    %sign3A_43 = arith.cmpi slt, %iota3A, %sign3A_42 : vector<1x8192xi32>
    %sign3A_44 = arith.extui %sign3A_43 : vector<1x8192xi1> to vector<1x8192xi32>
    %sign3A_45 = arith.subi %sign3A_40, %sign3A_44 : vector<1x8192xi32>
    %sign3A_46 = arith.constant 0 : i32
    %sign3A_47 = arith.cmpi sgt, %jit3A, %sign3A_46 : i32
    %sign3A_48 = arith.extui %sign3A_47 : i1 to i32
    %sign3A_49 = arith.constant 0 : i32
    %sign3A_50 = arith.cmpi slt, %jit3A, %sign3A_49 : i32
    %sign3A_51 = arith.extui %sign3A_50 : i1 to i32
    %sign3A_52 = arith.subi %sign3A_48, %sign3A_51 : i32
    %ne3A = vector.broadcast %sign3A_52 : i32 to vector<1x8192xi32>
    %ne3A_53 = arith.cmpi ne, %sign3A_45, %ne3A : vector<1x8192xi32>
    %rem3A = vector.broadcast %jit3A : i32 to vector<1x8192xi32>
    %rem3A_54 = arith.remsi %iota3A, %rem3A : vector<1x8192xi32>
    %ne3A_55 = arith.constant 0 : i32
    %ne3A_56 = vector.broadcast %ne3A_55 : i32 to vector<1x8192xi32>
    %ne3A_57 = arith.cmpi ne, %rem3A_54, %ne3A_56 : vector<1x8192xi32>
    %and3A = arith.andi %ne3A_53, %ne3A_57 : vector<1x8192xi1>
    %sub3A = arith.constant 1 : i32
    %sub3A_58 = vector.broadcast %sub3A : i32 to vector<1x8192xi32>
    %sub3A_59 = arith.subi %div3A_37, %sub3A_58 : vector<1x8192xi32>
    %select_n3A = arith.select %and3A, %sub3A_59, %div3A_37 : vector<1x8192xi1>, vector<1x8192xi32>
    %jit3A_60 = arith.constant 2 : i32
    %eq3A = arith.constant 0 : i32
    %eq3A_61 = arith.cmpi eq, %jit3A_60, %eq3A : i32
    %jit3A_62 = arith.constant 1 : i32
    %select_n3A_63 = arith.select %eq3A_61, %jit3A_62, %jit3A_60 : i32
    %rem3A_64 = vector.broadcast %select_n3A_63 : i32 to vector<1x8192xi32>
    %rem3A_65 = arith.remsi %select_n3A, %rem3A_64 : vector<1x8192xi32>
    %ne3A_66 = arith.constant 0 : i32
    %ne3A_67 = vector.broadcast %ne3A_66 : i32 to vector<1x8192xi32>
    %ne3A_68 = arith.cmpi ne, %rem3A_65, %ne3A_67 : vector<1x8192xi32>
    %lt3A = arith.constant 0 : i32
    %lt3A_69 = vector.broadcast %lt3A : i32 to vector<1x8192xi32>
    %lt3A_70 = arith.cmpi slt, %rem3A_65, %lt3A_69 : vector<1x8192xi32>
    %lt3A_71 = arith.constant 0 : i32
    %lt3A_72 = arith.cmpi slt, %select_n3A_63, %lt3A_71 : i32
    %ne3A_73 = vector.broadcast %lt3A_72 : i1 to vector<1x8192xi1>
    %ne3A_74 = vector.broadcast %ne3A_73 : vector<1x8192xi1> to vector<1x8192xi1>
    %ne3A_75 = arith.xori %lt3A_70, %ne3A_74 : vector<1x8192xi1>
    %and3A_76 = arith.andi %ne3A_75, %ne3A_68 : vector<1x8192xi1>
    %add3A_77 = vector.broadcast %select_n3A_63 : i32 to vector<1x8192xi32>
    %add3A_78 = arith.addi %rem3A_65, %add3A_77 : vector<1x8192xi32>
    %select_n3A_79 = arith.select %and3A_76, %add3A_78, %rem3A_65 : vector<1x8192xi1>, vector<1x8192xi32>
    %jit3A_80 = arith.constant 4096 : i32
    %div3A_81 = vector.broadcast %jit3A_80 : i32 to vector<1x8192xi32>
    %div3A_82 = arith.divsi %iota3A, %div3A_81 : vector<1x8192xi32>
    %sign3A_83 = arith.constant 0 : i32
    %sign3A_84 = vector.broadcast %sign3A_83 : i32 to vector<1x8192xi32>
    %sign3A_85 = arith.cmpi sgt, %iota3A, %sign3A_84 : vector<1x8192xi32>
    %sign3A_86 = arith.extui %sign3A_85 : vector<1x8192xi1> to vector<1x8192xi32>
    %sign3A_87 = arith.constant 0 : i32
    %sign3A_88 = vector.broadcast %sign3A_87 : i32 to vector<1x8192xi32>
    %sign3A_89 = arith.cmpi slt, %iota3A, %sign3A_88 : vector<1x8192xi32>
    %sign3A_90 = arith.extui %sign3A_89 : vector<1x8192xi1> to vector<1x8192xi32>
    %sign3A_91 = arith.subi %sign3A_86, %sign3A_90 : vector<1x8192xi32>
    %sign3A_92 = arith.constant 0 : i32
    %sign3A_93 = arith.cmpi sgt, %jit3A_80, %sign3A_92 : i32
    %sign3A_94 = arith.extui %sign3A_93 : i1 to i32
    %sign3A_95 = arith.constant 0 : i32
    %sign3A_96 = arith.cmpi slt, %jit3A_80, %sign3A_95 : i32
    %sign3A_97 = arith.extui %sign3A_96 : i1 to i32
    %sign3A_98 = arith.subi %sign3A_94, %sign3A_97 : i32
    %ne3A_99 = vector.broadcast %sign3A_98 : i32 to vector<1x8192xi32>
    %ne3A_100 = arith.cmpi ne, %sign3A_91, %ne3A_99 : vector<1x8192xi32>
    %rem3A_101 = vector.broadcast %jit3A_80 : i32 to vector<1x8192xi32>
    %rem3A_102 = arith.remsi %iota3A, %rem3A_101 : vector<1x8192xi32>
    %ne3A_103 = arith.constant 0 : i32
    %ne3A_104 = vector.broadcast %ne3A_103 : i32 to vector<1x8192xi32>
    %ne3A_105 = arith.cmpi ne, %rem3A_102, %ne3A_104 : vector<1x8192xi32>
    %and3A_106 = arith.andi %ne3A_100, %ne3A_105 : vector<1x8192xi1>
    %sub3A_107 = arith.constant 1 : i32
    %sub3A_108 = vector.broadcast %sub3A_107 : i32 to vector<1x8192xi32>
    %sub3A_109 = arith.subi %div3A_82, %sub3A_108 : vector<1x8192xi32>
    %select_n3A_110 = arith.select %and3A_106, %sub3A_109, %div3A_82 : vector<1x8192xi1>, vector<1x8192xi32>
    %mul3A = arith.constant 2 : i32
    %mul3A_111 = vector.broadcast %mul3A : i32 to vector<1x8192xi32>
    %mul3A_112 = arith.muli %mul3A_111, %select_n3A_110 : vector<1x8192xi32>
    %jit3A_113 = arith.constant 64 : i32
    %eq3A_114 = arith.constant 0 : i32
    %eq3A_115 = arith.cmpi eq, %jit3A_113, %eq3A_114 : i32
    %jit3A_116 = arith.constant 1 : i32
    %select_n3A_117 = arith.select %eq3A_115, %jit3A_116, %jit3A_113 : i32
    %rem3A_118 = vector.broadcast %select_n3A_117 : i32 to vector<1x8192xi32>
    %rem3A_119 = arith.remsi %iota3A, %rem3A_118 : vector<1x8192xi32>
    %ne3A_120 = arith.constant 0 : i32
    %ne3A_121 = vector.broadcast %ne3A_120 : i32 to vector<1x8192xi32>
    %ne3A_122 = arith.cmpi ne, %rem3A_119, %ne3A_121 : vector<1x8192xi32>
    %lt3A_123 = arith.constant 0 : i32
    %lt3A_124 = vector.broadcast %lt3A_123 : i32 to vector<1x8192xi32>
    %lt3A_125 = arith.cmpi slt, %rem3A_119, %lt3A_124 : vector<1x8192xi32>
    %lt3A_126 = arith.constant 0 : i32
    %lt3A_127 = arith.cmpi slt, %select_n3A_117, %lt3A_126 : i32
    %ne3A_128 = vector.broadcast %lt3A_127 : i1 to vector<1x8192xi1>
    %ne3A_129 = vector.broadcast %ne3A_128 : vector<1x8192xi1> to vector<1x8192xi1>
    %ne3A_130 = arith.xori %lt3A_125, %ne3A_129 : vector<1x8192xi1>
    %and3A_131 = arith.andi %ne3A_130, %ne3A_122 : vector<1x8192xi1>
    %add3A_132 = vector.broadcast %select_n3A_117 : i32 to vector<1x8192xi32>
    %add3A_133 = arith.addi %rem3A_119, %add3A_132 : vector<1x8192xi32>
    %select_n3A_134 = arith.select %and3A_131, %add3A_133, %rem3A_119 : vector<1x8192xi1>, vector<1x8192xi32>
    %jit3A_135 = arith.constant 32 : i32
    %div3A_136 = vector.broadcast %jit3A_135 : i32 to vector<1x8192xi32>
    %div3A_137 = arith.divsi %select_n3A_134, %div3A_136 : vector<1x8192xi32>
    %sign3A_138 = arith.constant 0 : i32
    %sign3A_139 = vector.broadcast %sign3A_138 : i32 to vector<1x8192xi32>
    %sign3A_140 = arith.cmpi sgt, %select_n3A_134, %sign3A_139 : vector<1x8192xi32>
    %sign3A_141 = arith.extui %sign3A_140 : vector<1x8192xi1> to vector<1x8192xi32>
    %sign3A_142 = arith.constant 0 : i32
    %sign3A_143 = vector.broadcast %sign3A_142 : i32 to vector<1x8192xi32>
    %sign3A_144 = arith.cmpi slt, %select_n3A_134, %sign3A_143 : vector<1x8192xi32>
    %sign3A_145 = arith.extui %sign3A_144 : vector<1x8192xi1> to vector<1x8192xi32>
    %sign3A_146 = arith.subi %sign3A_141, %sign3A_145 : vector<1x8192xi32>
    %sign3A_147 = arith.constant 0 : i32
    %sign3A_148 = arith.cmpi sgt, %jit3A_135, %sign3A_147 : i32
    %sign3A_149 = arith.extui %sign3A_148 : i1 to i32
    %sign3A_150 = arith.constant 0 : i32
    %sign3A_151 = arith.cmpi slt, %jit3A_135, %sign3A_150 : i32
    %sign3A_152 = arith.extui %sign3A_151 : i1 to i32
    %sign3A_153 = arith.subi %sign3A_149, %sign3A_152 : i32
    %ne3A_154 = vector.broadcast %sign3A_153 : i32 to vector<1x8192xi32>
    %ne3A_155 = arith.cmpi ne, %sign3A_146, %ne3A_154 : vector<1x8192xi32>
    %rem3A_156 = vector.broadcast %jit3A_135 : i32 to vector<1x8192xi32>
    %rem3A_157 = arith.remsi %select_n3A_134, %rem3A_156 : vector<1x8192xi32>
    %ne3A_158 = arith.constant 0 : i32
    %ne3A_159 = vector.broadcast %ne3A_158 : i32 to vector<1x8192xi32>
    %ne3A_160 = arith.cmpi ne, %rem3A_157, %ne3A_159 : vector<1x8192xi32>
    %and3A_161 = arith.andi %ne3A_155, %ne3A_160 : vector<1x8192xi1>
    %sub3A_162 = arith.constant 1 : i32
    %sub3A_163 = vector.broadcast %sub3A_162 : i32 to vector<1x8192xi32>
    %sub3A_164 = arith.subi %div3A_137, %sub3A_163 : vector<1x8192xi32>
    %select_n3A_165 = arith.select %and3A_161, %sub3A_164, %div3A_137 : vector<1x8192xi1>, vector<1x8192xi32>
    %add3A_166 = arith.addi %mul3A_112, %select_n3A_165 : vector<1x8192xi32>
    %mul3A_167 = arith.constant 4 : i32
    %mul3A_168 = vector.broadcast %mul3A_167 : i32 to vector<1x8192xi32>
    %mul3A_169 = arith.muli %mul3A_168, %select_n3A_79 : vector<1x8192xi32>
    %add3A_170 = arith.addi %mul3A_169, %add3A_166 : vector<1x8192xi32>
    %iota3A_171 = tpu.iota {dimensions = array<i32: 0>} : vector<8x8192xi32>
    %jit3A_172 = arith.constant 4 : i32
    %div3A_173 = vector.broadcast %jit3A_172 : i32 to vector<8x8192xi32>
    %div3A_174 = arith.divsi %iota3A_171, %div3A_173 : vector<8x8192xi32>
    %sign3A_175 = arith.constant 0 : i32
    %sign3A_176 = vector.broadcast %sign3A_175 : i32 to vector<8x8192xi32>
    %sign3A_177 = arith.cmpi sgt, %iota3A_171, %sign3A_176 : vector<8x8192xi32>
    %sign3A_178 = arith.extui %sign3A_177 : vector<8x8192xi1> to vector<8x8192xi32>
    %sign3A_179 = arith.constant 0 : i32
    %sign3A_180 = vector.broadcast %sign3A_179 : i32 to vector<8x8192xi32>
    %sign3A_181 = arith.cmpi slt, %iota3A_171, %sign3A_180 : vector<8x8192xi32>
    %sign3A_182 = arith.extui %sign3A_181 : vector<8x8192xi1> to vector<8x8192xi32>
    %sign3A_183 = arith.subi %sign3A_178, %sign3A_182 : vector<8x8192xi32>
    %sign3A_184 = arith.constant 0 : i32
    %sign3A_185 = arith.cmpi sgt, %jit3A_172, %sign3A_184 : i32
    %sign3A_186 = arith.extui %sign3A_185 : i1 to i32
    %sign3A_187 = arith.constant 0 : i32
    %sign3A_188 = arith.cmpi slt, %jit3A_172, %sign3A_187 : i32
    %sign3A_189 = arith.extui %sign3A_188 : i1 to i32
    %sign3A_190 = arith.subi %sign3A_186, %sign3A_189 : i32
    %ne3A_191 = vector.broadcast %sign3A_190 : i32 to vector<8x8192xi32>
    %ne3A_192 = arith.cmpi ne, %sign3A_183, %ne3A_191 : vector<8x8192xi32>
    %rem3A_193 = vector.broadcast %jit3A_172 : i32 to vector<8x8192xi32>
    %rem3A_194 = arith.remsi %iota3A_171, %rem3A_193 : vector<8x8192xi32>
    %ne3A_195 = arith.constant 0 : i32
    %ne3A_196 = vector.broadcast %ne3A_195 : i32 to vector<8x8192xi32>
    %ne3A_197 = arith.cmpi ne, %rem3A_194, %ne3A_196 : vector<8x8192xi32>
    %and3A_198 = arith.andi %ne3A_192, %ne3A_197 : vector<8x8192xi1>
    %sub3A_199 = arith.constant 1 : i32
    %sub3A_200 = vector.broadcast %sub3A_199 : i32 to vector<8x8192xi32>
    %sub3A_201 = arith.subi %div3A_174, %sub3A_200 : vector<8x8192xi32>
    %select_n3A_202 = arith.select %and3A_198, %sub3A_201, %div3A_174 : vector<8x8192xi1>, vector<8x8192xi32>
    %eq3A_203 = vector.broadcast %select_n3A_79 : vector<1x8192xi32> to vector<8x8192xi32>
    %eq3A_204 = arith.cmpi eq, %select_n3A_202, %eq3A_203 : vector<8x8192xi32>
    %eq3A_205 = vector.broadcast %add3A_170 : vector<1x8192xi32> to vector<8x8192xi32>
    %eq3A_206 = arith.cmpi eq, %iota3A_171, %eq3A_205 : vector<8x8192xi32>
    %jit3A_207 = arith.constant 1.000000e+00 : f32
    %jit3A_208 = arith.constant 0.000000e+00 : f32
    %broadcast_in_dim3A = vector.broadcast %jit3A_207 : f32 to vector<8x8192xf32>
    %broadcast_in_dim3A_209 = vector.broadcast %jit3A_208 : f32 to vector<8x8192xf32>
    %select_n3A_210 = arith.select %eq3A_206, %broadcast_in_dim3A, %broadcast_in_dim3A_209 : vector<8x8192xi1>, vector<8x8192xf32>
    %jit3A_211 = arith.constant 4 : i32
    %eq3A_212 = arith.constant 0 : i32
    %eq3A_213 = arith.cmpi eq, %jit3A_211, %eq3A_212 : i32
    %jit3A_214 = arith.constant 1 : i32
    %select_n3A_215 = arith.select %eq3A_213, %jit3A_214, %jit3A_211 : i32
    %rem3A_216 = vector.broadcast %select_n3A_215 : i32 to vector<8x8192xi32>
    %rem3A_217 = arith.remsi %iota3A_171, %rem3A_216 : vector<8x8192xi32>
    %ne3A_218 = arith.constant 0 : i32
    %ne3A_219 = vector.broadcast %ne3A_218 : i32 to vector<8x8192xi32>
    %ne3A_220 = arith.cmpi ne, %rem3A_217, %ne3A_219 : vector<8x8192xi32>
    %lt3A_221 = arith.constant 0 : i32
    %lt3A_222 = vector.broadcast %lt3A_221 : i32 to vector<8x8192xi32>
    %lt3A_223 = arith.cmpi slt, %rem3A_217, %lt3A_222 : vector<8x8192xi32>
    %lt3A_224 = arith.constant 0 : i32
    %lt3A_225 = arith.cmpi slt, %select_n3A_215, %lt3A_224 : i32
    %ne3A_226 = vector.broadcast %lt3A_225 : i1 to vector<8x8192xi1>
    %ne3A_227 = vector.broadcast %ne3A_226 : vector<8x8192xi1> to vector<8x8192xi1>
    %ne3A_228 = arith.xori %lt3A_223, %ne3A_227 : vector<8x8192xi1>
    %and3A_229 = arith.andi %ne3A_228, %ne3A_220 : vector<8x8192xi1>
    %add3A_230 = vector.broadcast %select_n3A_215 : i32 to vector<8x8192xi32>
    %add3A_231 = arith.addi %rem3A_217, %add3A_230 : vector<8x8192xi32>
    %select_n3A_232 = arith.select %and3A_229, %add3A_231, %rem3A_217 : vector<8x8192xi1>, vector<8x8192xi32>
    %sub3A_233 = vector.broadcast %add3A_166 : vector<1x8192xi32> to vector<8x8192xi32>
    %sub3A_234 = arith.subi %select_n3A_232, %sub3A_233 : vector<8x8192xi32>
    %abs3A = math.absi %sub3A_234 : vector<8x8192xi32>
    %eq3A_235 = arith.constant 1 : i32
    %eq3A_236 = vector.broadcast %eq3A_235 : i32 to vector<8x8192xi32>
    %eq3A_237 = arith.cmpi eq, %abs3A, %eq3A_236 : vector<8x8192xi32>
    %and3A_238 = arith.andi %eq3A_204, %eq3A_237 : vector<8x8192xi1>
    %jit3A_239 = arith.constant 1.000000e+00 : f32
    %jit3A_240 = arith.constant 0.000000e+00 : f32
    %broadcast_in_dim3A_241 = vector.broadcast %jit3A_239 : f32 to vector<8x8192xf32>
    %broadcast_in_dim3A_242 = vector.broadcast %jit3A_240 : f32 to vector<8x8192xf32>
    %select_n3A_243 = arith.select %eq3A_204, %broadcast_in_dim3A_241, %broadcast_in_dim3A_242 : vector<8x8192xi1>, vector<8x8192xf32>
    %jit3A_244 = arith.constant 2.000000e+00 : f32
    %broadcast_in_dim3A_245 = vector.broadcast %jit3A_244 : f32 to vector<8x8192xf32>
    %select_n3A_246 = arith.select %and3A_238, %broadcast_in_dim3A_245, %select_n3A_243 : vector<8x8192xi1>, vector<8x8192xf32>
    %dot_general3A_247 = arith.constant dense<0.000000e+00> : vector<8x96xf32>
    %dot_general3A_248 = tpu.matmul %select_n3A_210, %reshape3A_11, %dot_general3A_247 {dimension_numbers = #tpu.dot_dimension_numbers<[1], [1], [0], [0], [0, 0, 1, 0], [], []>, transpose_lhs_hint = false} : vector<8x8192xf32>, vector<96x8192xf32>, vector<8x96xf32> -> vector<8x96xf32>
    %mul3A_249 = arith.constant 9.765625E-4 : f32
    %mul3A_250 = vector.broadcast %mul3A_249 : f32 to vector<8x96xf32>
    %mul3A_251 = arith.mulf %dot_general3A_248, %mul3A_250 : vector<8x96xf32>
    %dot_general3A_252 = arith.constant dense<0.000000e+00> : vector<8x96xf32>
    %dot_general3A_253 = tpu.matmul %select_n3A_210, %add3A_26, %dot_general3A_252 {dimension_numbers = #tpu.dot_dimension_numbers<[1], [1], [0], [0], [0, 0, 1, 0], [], []>, transpose_lhs_hint = false} : vector<8x8192xf32>, vector<96x8192xf32>, vector<8x96xf32> -> vector<8x96xf32>
    %mul3A_254 = arith.constant 9.765625E-4 : f32
    %mul3A_255 = vector.broadcast %mul3A_254 : f32 to vector<8x96xf32>
    %mul3A_256 = arith.mulf %dot_general3A_253, %mul3A_255 : vector<8x96xf32>
    %dot_general3A_257 = arith.constant dense<0.000000e+00> : vector<8x96xf32>
    %dot_general3A_258 = tpu.matmul %select_n3A_210, %add3A_36, %dot_general3A_257 {dimension_numbers = #tpu.dot_dimension_numbers<[1], [1], [0], [0], [0, 0, 1, 0], [], []>, transpose_lhs_hint = false} : vector<8x8192xf32>, vector<96x8192xf32>, vector<8x96xf32> -> vector<8x96xf32>
    %mul3A_259 = arith.constant 9.765625E-4 : f32
    %mul3A_260 = vector.broadcast %mul3A_259 : f32 to vector<8x96xf32>
    %mul3A_261 = arith.mulf %dot_general3A_258, %mul3A_260 : vector<8x96xf32>
    %mul3A_262 = arith.mulf %reshape3A_11, %reshape3A_11 : vector<96x8192xf32>
    %reduce_sum3A = arith.constant dense<0.000000e+00> : vector<8192xf32>
    %reduce_sum3A_263 = vector.multi_reduction <add>, %mul3A_262, %reduce_sum3A [0] : vector<96x8192xf32> to vector<8192xf32>
    %broadcast_in_dim3A_264 = vector.shape_cast %reduce_sum3A_263 : vector<8192xf32> to vector<1x8192xf32>
    %mul3A_265 = arith.mulf %add3A_26, %add3A_26 : vector<96x8192xf32>
    %reduce_sum3A_266 = arith.constant dense<0.000000e+00> : vector<8192xf32>
    %reduce_sum3A_267 = vector.multi_reduction <add>, %mul3A_265, %reduce_sum3A_266 [0] : vector<96x8192xf32> to vector<8192xf32>
    %broadcast_in_dim3A_268 = vector.shape_cast %reduce_sum3A_267 : vector<8192xf32> to vector<1x8192xf32>
    %mul3A_269 = arith.mulf %add3A_36, %add3A_36 : vector<96x8192xf32>
    %reduce_sum3A_270 = arith.constant dense<0.000000e+00> : vector<8192xf32>
    %reduce_sum3A_271 = vector.multi_reduction <add>, %mul3A_269, %reduce_sum3A_270 [0] : vector<96x8192xf32> to vector<8192xf32>
    %broadcast_in_dim3A_272 = vector.shape_cast %reduce_sum3A_271 : vector<8192xf32> to vector<1x8192xf32>
    %mul3A_273 = arith.mulf %mul3A_256, %mul3A_256 : vector<8x96xf32>
    %reduce_sum3A_274 = arith.constant dense<0.000000e+00> : vector<8xf32>
    %reduce_sum3A_275 = vector.multi_reduction <add>, %mul3A_273, %reduce_sum3A_274 [1] : vector<8x96xf32> to vector<8xf32>
    %broadcast_in_dim3A_276 = vector.shape_cast %reduce_sum3A_275 : vector<8xf32> to vector<8x1xf32>
    %dot_general3A_277 = arith.constant dense<0.000000e+00> : vector<8x8192xf32>
    %dot_general3A_278 = tpu.matmul %mul3A_256, %add3A_26, %dot_general3A_277 {dimension_numbers = #tpu.dot_dimension_numbers<[1], [0], [0], [1], [0, 0, 1, 1], [], []>, transpose_lhs_hint = false} : vector<8x96xf32>, vector<96x8192xf32>, vector<8x8192xf32> -> vector<8x8192xf32>
    %add3A_279 = vector.broadcast %broadcast_in_dim3A_268 : vector<1x8192xf32> to vector<8x8192xf32>
    %add3A_280 = vector.broadcast %broadcast_in_dim3A_276 : vector<8x1xf32> to vector<8x8192xf32>
    %add3A_281 = arith.addf %add3A_279, %add3A_280 : vector<8x8192xf32>
    %mul3A_282 = arith.constant 2.000000e+00 : f32
    %mul3A_283 = vector.broadcast %mul3A_282 : f32 to vector<8x8192xf32>
    %mul3A_284 = arith.mulf %mul3A_283, %dot_general3A_278 : vector<8x8192xf32>
    %sub3A_285 = arith.subf %add3A_281, %mul3A_284 : vector<8x8192xf32>
    %mul3A_286 = arith.mulf %mul3A_261, %mul3A_261 : vector<8x96xf32>
    %reduce_sum3A_287 = arith.constant dense<0.000000e+00> : vector<8xf32>
    %reduce_sum3A_288 = vector.multi_reduction <add>, %mul3A_286, %reduce_sum3A_287 [1] : vector<8x96xf32> to vector<8xf32>
    %broadcast_in_dim3A_289 = vector.shape_cast %reduce_sum3A_288 : vector<8xf32> to vector<8x1xf32>
    %dot_general3A_290 = arith.constant dense<0.000000e+00> : vector<8x8192xf32>
    %dot_general3A_291 = tpu.matmul %mul3A_261, %add3A_36, %dot_general3A_290 {dimension_numbers = #tpu.dot_dimension_numbers<[1], [0], [0], [1], [0, 0, 1, 1], [], []>, transpose_lhs_hint = false} : vector<8x96xf32>, vector<96x8192xf32>, vector<8x8192xf32> -> vector<8x8192xf32>
    %add3A_292 = vector.broadcast %broadcast_in_dim3A_272 : vector<1x8192xf32> to vector<8x8192xf32>
    %add3A_293 = vector.broadcast %broadcast_in_dim3A_289 : vector<8x1xf32> to vector<8x8192xf32>
    %add3A_294 = arith.addf %add3A_292, %add3A_293 : vector<8x8192xf32>
    %mul3A_295 = arith.constant 2.000000e+00 : f32
    %mul3A_296 = vector.broadcast %mul3A_295 : f32 to vector<8x8192xf32>
    %mul3A_297 = arith.mulf %mul3A_296, %dot_general3A_291 : vector<8x8192xf32>
    %sub3A_298 = arith.subf %add3A_294, %mul3A_297 : vector<8x8192xf32>
    %mul3A_299 = arith.mulf %mul3A_251, %mul3A_251 : vector<8x96xf32>
    %reduce_sum3A_300 = arith.constant dense<0.000000e+00> : vector<8xf32>
    %reduce_sum3A_301 = vector.multi_reduction <add>, %mul3A_299, %reduce_sum3A_300 [1] : vector<8x96xf32> to vector<8xf32>
    %broadcast_in_dim3A_302 = vector.shape_cast %reduce_sum3A_301 : vector<8xf32> to vector<8x1xf32>
    %dot_general3A_303 = arith.constant dense<0.000000e+00> : vector<8x8192xf32>
    %dot_general3A_304 = tpu.matmul %mul3A_251, %reshape3A_11, %dot_general3A_303 {dimension_numbers = #tpu.dot_dimension_numbers<[1], [0], [0], [1], [0, 0, 1, 1], [], []>, transpose_lhs_hint = false} : vector<8x96xf32>, vector<96x8192xf32>, vector<8x8192xf32> -> vector<8x8192xf32>
    %add3A_305 = vector.broadcast %broadcast_in_dim3A_264 : vector<1x8192xf32> to vector<8x8192xf32>
    %add3A_306 = vector.broadcast %broadcast_in_dim3A_302 : vector<8x1xf32> to vector<8x8192xf32>
    %add3A_307 = arith.addf %add3A_305, %add3A_306 : vector<8x8192xf32>
    %mul3A_308 = arith.constant 2.000000e+00 : f32
    %mul3A_309 = vector.broadcast %mul3A_308 : f32 to vector<8x8192xf32>
    %mul3A_310 = arith.mulf %mul3A_309, %dot_general3A_304 : vector<8x8192xf32>
    %sub3A_311 = arith.subf %add3A_307, %mul3A_310 : vector<8x8192xf32>
    %add3A_312 = arith.addf %sub3A_311, %sub3A_285 : vector<8x8192xf32>
    %add3A_313 = arith.addf %add3A_312, %sub3A_298 : vector<8x8192xf32>
    %jit3A_314 = arith.constant 1.000000e+16 : f32
    %broadcast_in_dim3A_315 = vector.broadcast %jit3A_314 : f32 to vector<8x8192xf32>
    %select_n3A_316 = arith.select %eq3A_204, %add3A_313, %broadcast_in_dim3A_315 : vector<8x8192xi1>, vector<8x8192xf32>
    %reduce_min3A = arith.constant dense<0x7F800000> : vector<8192xf32>
    %reduce_min3A_317 = vector.multi_reduction <minimumf>, %select_n3A_316, %reduce_min3A [0] : vector<8x8192xf32> to vector<8192xf32>
    %broadcast_in_dim3A_318 = vector.shape_cast %reduce_min3A_317 : vector<8192xf32> to vector<1x8192xf32>
    %sub3A_319 = vector.broadcast %broadcast_in_dim3A_318 : vector<1x8192xf32> to vector<8x8192xf32>
    %sub3A_320 = arith.subf %sub3A_319, %select_n3A_316 : vector<8x8192xf32>
    %exp3A = math.exp %sub3A_320 : vector<8x8192xf32>
    %mul3A_321 = arith.mulf %select_n3A_246, %exp3A : vector<8x8192xf32>
    %reduce_sum3A_322 = arith.constant dense<0.000000e+00> : vector<8192xf32>
    %reduce_sum3A_323 = vector.multi_reduction <add>, %mul3A_321, %reduce_sum3A_322 [0] : vector<8x8192xf32> to vector<8192xf32>
    %broadcast_in_dim3A_324 = vector.shape_cast %reduce_sum3A_323 : vector<8192xf32> to vector<1x8192xf32>
    %div3A_325 = vector.broadcast %broadcast_in_dim3A_324 : vector<1x8192xf32> to vector<8x8192xf32>
    %div3A_326 = arith.divf %mul3A_321, %div3A_325 : vector<8x8192xf32>
    %dot_general3A_327 = arith.constant dense<0.000000e+00> : vector<8x96xf32>
    %dot_general3A_328 = tpu.matmul %div3A_326, %reshape3A_11, %dot_general3A_327 {dimension_numbers = #tpu.dot_dimension_numbers<[1], [1], [0], [0], [0, 0, 1, 0], [], []>, transpose_lhs_hint = false} : vector<8x8192xf32>, vector<96x8192xf32>, vector<8x96xf32> -> vector<8x96xf32>
    %reduce_sum3A_329 = arith.constant dense<0.000000e+00> : vector<8xf32>
    %reduce_sum3A_330 = vector.multi_reduction <add>, %div3A_326, %reduce_sum3A_329 [1] : vector<8x8192xf32> to vector<8xf32>
    %broadcast_in_dim3A_331 = vector.shape_cast %reduce_sum3A_330 : vector<8xf32> to vector<8x1xf32>
    %add3A_332 = arith.constant 1.000000e-16 : f32
    %add3A_333 = vector.broadcast %add3A_332 : f32 to vector<8x1xf32>
    %add3A_334 = arith.addf %broadcast_in_dim3A_331, %add3A_333 : vector<8x1xf32>
    %div3A_335 = vector.broadcast %add3A_334 : vector<8x1xf32> to vector<8x96xf32>
    %div3A_336 = arith.divf %dot_general3A_328, %div3A_335 : vector<8x96xf32>
    %mul3A_337 = arith.mulf %div3A_336, %div3A_336 : vector<8x96xf32>
    %reduce_sum3A_338 = arith.constant dense<0.000000e+00> : vector<8xf32>
    %reduce_sum3A_339 = vector.multi_reduction <add>, %mul3A_337, %reduce_sum3A_338 [1] : vector<8x96xf32> to vector<8xf32>
    %broadcast_in_dim3A_340 = vector.shape_cast %reduce_sum3A_339 : vector<8xf32> to vector<8x1xf32>
    %dot_general3A_341 = arith.constant dense<0.000000e+00> : vector<8x8192xf32>
    %dot_general3A_342 = tpu.matmul %div3A_336, %reshape3A_11, %dot_general3A_341 {dimension_numbers = #tpu.dot_dimension_numbers<[1], [0], [0], [1], [0, 0, 1, 1], [], []>, transpose_lhs_hint = false} : vector<8x96xf32>, vector<96x8192xf32>, vector<8x8192xf32> -> vector<8x8192xf32>
    %add3A_343 = vector.broadcast %broadcast_in_dim3A_264 : vector<1x8192xf32> to vector<8x8192xf32>
    %add3A_344 = vector.broadcast %broadcast_in_dim3A_340 : vector<8x1xf32> to vector<8x8192xf32>
    %add3A_345 = arith.addf %add3A_343, %add3A_344 : vector<8x8192xf32>
    %mul3A_346 = arith.constant 2.000000e+00 : f32
    %mul3A_347 = vector.broadcast %mul3A_346 : f32 to vector<8x8192xf32>
    %mul3A_348 = arith.mulf %mul3A_347, %dot_general3A_342 : vector<8x8192xf32>
    %sub3A_349 = arith.subf %add3A_345, %mul3A_348 : vector<8x8192xf32>
    %add3A_350 = arith.addf %sub3A_349, %sub3A_285 : vector<8x8192xf32>
    %add3A_351 = arith.addf %add3A_350, %sub3A_298 : vector<8x8192xf32>
    %jit3A_352 = arith.constant 1.000000e+16 : f32
    %broadcast_in_dim3A_353 = vector.broadcast %jit3A_352 : f32 to vector<8x8192xf32>
    %select_n3A_354 = arith.select %eq3A_204, %add3A_351, %broadcast_in_dim3A_353 : vector<8x8192xi1>, vector<8x8192xf32>
    %reduce_min3A_355 = arith.constant dense<0x7F800000> : vector<8192xf32>
    %reduce_min3A_356 = vector.multi_reduction <minimumf>, %select_n3A_354, %reduce_min3A_355 [0] : vector<8x8192xf32> to vector<8192xf32>
    %broadcast_in_dim3A_357 = vector.shape_cast %reduce_min3A_356 : vector<8192xf32> to vector<1x8192xf32>
    %sub3A_358 = vector.broadcast %broadcast_in_dim3A_357 : vector<1x8192xf32> to vector<8x8192xf32>
    %sub3A_359 = arith.subf %sub3A_358, %select_n3A_354 : vector<8x8192xf32>
    %exp3A_360 = math.exp %sub3A_359 : vector<8x8192xf32>
    %mul3A_361 = arith.mulf %select_n3A_246, %exp3A_360 : vector<8x8192xf32>
    %reduce_sum3A_362 = arith.constant dense<0.000000e+00> : vector<8192xf32>
    %reduce_sum3A_363 = vector.multi_reduction <add>, %mul3A_361, %reduce_sum3A_362 [0] : vector<8x8192xf32> to vector<8192xf32>
    %broadcast_in_dim3A_364 = vector.shape_cast %reduce_sum3A_363 : vector<8192xf32> to vector<1x8192xf32>
    %div3A_365 = vector.broadcast %broadcast_in_dim3A_364 : vector<1x8192xf32> to vector<8x8192xf32>
    %div3A_366 = arith.divf %mul3A_361, %div3A_365 : vector<8x8192xf32>
    %reduce_max3A = arith.constant dense<0xFF800000> : vector<8192xf32>
    %reduce_max3A_367 = vector.multi_reduction <maximumf>, %div3A_366, %reduce_max3A [0] : vector<8x8192xf32> to vector<8192xf32>
    %broadcast_in_dim3A_368 = vector.shape_cast %reduce_max3A_367 : vector<8192xf32> to vector<1x8192xf32>
    %eq3A_369 = vector.broadcast %broadcast_in_dim3A_368 : vector<1x8192xf32> to vector<8x8192xf32>
    %eq3A_370 = arith.cmpf oeq, %div3A_366, %eq3A_369 : vector<8x8192xf32>
    %jit3A_371 = arith.constant 8 : i32
    %broadcast_in_dim3A_372 = vector.broadcast %jit3A_371 : i32 to vector<8x8192xi32>
    %select_n3A_373 = arith.select %eq3A_370, %iota3A_171, %broadcast_in_dim3A_372 : vector<8x8192xi1>, vector<8x8192xi32>
    %reduce_min3A_374 = arith.constant dense<2147483647> : vector<8192xi32>
    %reduce_min3A_375 = vector.multi_reduction <minsi>, %select_n3A_373, %reduce_min3A_374 [0] : vector<8x8192xi32> to vector<8192xi32>
    %broadcast_in_dim3A_376 = vector.shape_cast %reduce_min3A_375 : vector<8192xi32> to vector<1x8192xi32>
    %eq3A_377 = vector.broadcast %broadcast_in_dim3A_376 : vector<1x8192xi32> to vector<8x8192xi32>
    %eq3A_378 = arith.cmpi eq, %iota3A_171, %eq3A_377 : vector<8x8192xi32>
    %jit3A_379 = arith.constant 1.000000e+00 : f32
    %jit3A_380 = arith.constant 0.000000e+00 : f32
    %broadcast_in_dim3A_381 = vector.broadcast %jit3A_379 : f32 to vector<8x8192xf32>
    %broadcast_in_dim3A_382 = vector.broadcast %jit3A_380 : f32 to vector<8x8192xf32>
    %select_n3A_383 = arith.select %eq3A_378, %broadcast_in_dim3A_381, %broadcast_in_dim3A_382 : vector<8x8192xi1>, vector<8x8192xf32>
    %mul3A_384 = arith.mulf %div3A_366, %select_n3A_383 : vector<8x8192xf32>
    %dot_general3A_385 = arith.constant dense<0.000000e+00> : vector<8x96xf32>
    %dot_general3A_386 = tpu.matmul %mul3A_384, %reshape3A_11, %dot_general3A_385 {dimension_numbers = #tpu.dot_dimension_numbers<[1], [1], [0], [0], [0, 0, 1, 0], [], []>, transpose_lhs_hint = false} : vector<8x8192xf32>, vector<96x8192xf32>, vector<8x96xf32> -> vector<8x96xf32>
    %add3A_387 = arith.addf %dot_general3A_386, %mul3A_251 : vector<8x96xf32>
    %reduce_sum3A_388 = arith.constant dense<0.000000e+00> : vector<8xf32>
    %reduce_sum3A_389 = vector.multi_reduction <add>, %mul3A_384, %reduce_sum3A_388 [1] : vector<8x8192xf32> to vector<8xf32>
    %broadcast_in_dim3A_390 = vector.shape_cast %reduce_sum3A_389 : vector<8xf32> to vector<8x1xf32>
    %add3A_391 = arith.constant 1.000000e+00 : f32
    %add3A_392 = vector.broadcast %add3A_391 : f32 to vector<8x1xf32>
    %add3A_393 = arith.addf %broadcast_in_dim3A_390, %add3A_392 : vector<8x1xf32>
    %div3A_394 = vector.broadcast %add3A_393 : vector<8x1xf32> to vector<8x96xf32>
    %div3A_395 = arith.divf %add3A_387, %div3A_394 : vector<8x96xf32>
    %swap3A = arith.constant 0 : index
    %swap3A_396 = arith.constant 0 : index
    %swap3A_397 = arith.constant 0 : index
    %swap3A_398 = arith.constant 0 : index
    %swap3A_399 = vector.load %arg9[%swap3A, %swap3A_396, %swap3A_397, %swap3A_398] : memref<1x1x8x96xf32, #tpu.memory_space<vmem>>, vector<1x1x8x96xf32>
    %swap3A_400 = vector.shape_cast %swap3A_399 : vector<1x1x8x96xf32> to vector<8x96xf32>
    %swap3A_401 = vector.shape_cast %div3A_395 : vector<8x96xf32> to vector<1x1x8x96xf32>
    tpu.vector_store %arg9[%swap3A, %swap3A_396, %swap3A_397, %swap3A_398], %swap3A_401 {strides = array<i32>} : memref<1x1x8x96xf32, #tpu.memory_space<vmem>>, vector<1x1x8x96xf32>,
    %mul3A_402 = arith.constant 8 : i32
    %mul3A_403 = arith.muli %arg0, %mul3A_402 : i32
    %mul3A_404 = arith.constant 2 : i32
    %mul3A_405 = arith.muli %arg1, %mul3A_404 : i32
    %add3A_406 = arith.addi %mul3A_403, %mul3A_405 : i32
    %convert_element_type3A = arith.sitofp %broadcast_in_dim3A_376 : vector<1x8192xi32> to vector<1x8192xf32>
    %mul3A_407 = arith.constant 4 : i32
    %mul3A_408 = arith.muli %add3A_406, %mul3A_407 : i32
    %convert_element_type3A_409 = arith.sitofp %mul3A_408 : i32 to f32
    %add3A_410 = vector.broadcast %convert_element_type3A_409 : f32 to vector<1x8192xf32>
    %add3A_411 = arith.addf %convert_element_type3A, %add3A_410 : vector<1x8192xf32>
    %swap3A_412 = arith.constant 0 : index
    %swap3A_413 = arith.constant 0 : index
    %swap3A_414 = arith.constant 0 : index
    %swap3A_415 = arith.constant 0 : index
    %swap3A_416 = vector.load %arg10[%swap3A_412, %swap3A_413, %swap3A_414, %swap3A_415] : memref<1x1x1x8192xf32, #tpu.memory_space<vmem>>, vector<1x1x1x8192xf32>
    %swap3A_417 = vector.shape_cast %swap3A_416 : vector<1x1x1x8192xf32> to vector<1x8192xf32>
    %swap3A_418 = vector.shape_cast %add3A_411 : vector<1x8192xf32> to vector<1x1x1x8192xf32>
    tpu.vector_store %arg10[%swap3A_412, %swap3A_413, %swap3A_414, %swap3A_415], %swap3A_418 {strides = array<i32>} : memref<1x1x1x8192xf32, #tpu.memory_space<vmem>>, vector<1x1x1x8192xf32>,
    return
  }
  func.func @transform_0(%arg0: i32, %arg1: i32) -> (i32, i32, i32, i32) {
    %c0_i32 = arith.constant 0 : i32
    %c0_i32_0 = arith.constant 0 : i32
    %c0_i32_1 = arith.constant 0 : i32
    return %c0_i32, %c0_i32_0, %arg0, %arg1 : i32, i32, i32, i32
  }
  func.func @transform_1(%arg0: i32, %arg1: i32) -> (i32, i32, i32, i32) {
    %c0_i32 = arith.constant 0 : i32
    %c0_i32_0 = arith.constant 0 : i32
    %c0_i32_1 = arith.constant 0 : i32
    return %c0_i32, %c0_i32_0, %arg0, %arg1 : i32, i32, i32, i32
  }
  func.func @transform_2(%arg0: i32, %arg1: i32) -> (i32, i32, i32, i32) {
    %c0_i32 = arith.constant 0 : i32
    %c0_i32_0 = arith.constant 0 : i32
    %c0_i32_1 = arith.constant 0 : i32
    return %c0_i32, %c0_i32_0, %arg0, %arg1 : i32, i32, i32, i32
  }
  func.func @transform_3(%arg0: i32, %arg1: i32) -> (i32, i32) {
    %c0_i32 = arith.constant 0 : i32
    %c0_i32_0 = arith.constant 0 : i32
    %c0_i32_1 = arith.constant 0 : i32
    return %c0_i32, %c0_i32_0 : i32, i32
  }
  func.func @transform_4(%arg0: i32, %arg1: i32) -> (i32, i32) {
    %c0_i32 = arith.constant 0 : i32
    %c0_i32_0 = arith.constant 0 : i32
    %c0_i32_1 = arith.constant 0 : i32
    return %c0_i32, %c0_i32_0 : i32, i32
  }
  func.func @transform_5(%arg0: i32, %arg1: i32) -> (i32, i32) {
    %c0_i32 = arith.constant 0 : i32
    %c0_i32_0 = arith.constant 0 : i32
    %c0_i32_1 = arith.constant 0 : i32
    return %c0_i32, %c0_i32_0 : i32, i32
  }
  func.func @transform_6(%arg0: i32, %arg1: i32) -> (i32, i32) {
    %c0_i32 = arith.constant 0 : i32
    %c0_i32_0 = arith.constant 0 : i32
    %c0_i32_1 = arith.constant 0 : i32
    return %c0_i32, %c0_i32_0 : i32, i32
  }
  func.func @transform_7(%arg0: i32, %arg1: i32) -> (i32, i32, i32, i32) {
    %mul3A = arith.constant 4 : i32
    %mul3A_0 = arith.muli %arg0, %mul3A : i32
    %add3A = arith.addi %mul3A_0, %arg1 : i32
    %c0_i32 = arith.constant 0 : i32
    %c0_i32_1 = arith.constant 0 : i32
    %c0_i32_2 = arith.constant 0 : i32
    %c0_i32_3 = arith.constant 0 : i32
    return %c0_i32, %add3A, %c0_i32_1, %c0_i32_2 : i32, i32, i32, i32
  }
  func.func @transform_8(%arg0: i32, %arg1: i32) -> (i32, i32, i32, i32) {
    %mul3A = arith.constant 4 : i32
    %mul3A_0 = arith.muli %arg0, %mul3A : i32
    %add3A = arith.addi %mul3A_0, %arg1 : i32
    %c0_i32 = arith.constant 0 : i32
    %c0_i32_1 = arith.constant 0 : i32
    %c0_i32_2 = arith.constant 0 : i32
    %c0_i32_3 = arith.constant 0 : i32
    return %c0_i32, %add3A, %c0_i32_1, %c0_i32_2 : i32, i32, i32, i32
  }
}

</mosaic_0001>

<sc_bundles>
// kernel: kernel.6.cloned.1.call-start
scs
__scs_entry_jumppad:
0x0: {  	(pc) =	sbr.rel $0x88, $3  }
0x1: {  	(tag) =	ssettag $0x0;
	lr =	simm.s32 $0x1  }
0x2: {  	[smem:$0x3F99] =	sst lr;
	_ =	strace $0xD0000000  }
0x3: {  	_ = 	snop  }
0x4: {  	_ = 	snop  }
0x5: {  	_ = 	snop  }
0x6: {  	_ = 	snop  }
0x7: {  	_ = 	snop  }
__scs_overlays_trampoline_lowered:
0x8: {  	[smem:$0x3FA8] =	sst s0  }
0x9: {  	[smem:$0x3FA9] =	sst s1  }
0xa: {  	[smem:$0x3FAA] =	sst s2  }
0xb: {  	[smem:$0x3FAB] =	sst s3  }
0xc: {  	[smem:$0x3FAC] =	sst s4  }
0xd: {  	[smem:$0x3FAD] =	sst s5  }
0xe: {  	[smem:$0x3FAE] =	sst s6  }
0xf: {  	[smem:$0x3FAF] =	sst s7  }
0x10: {  	[smem:$0x3FB0] =	sst s8  }
0x11: {  	[smem:$0x3FB1] =	sst s9;
	s0 =	simm.s32 @!p0 $0x0  }
0x12: {  	s1 =	sld [smem:$0x3F97];
	s0 =	simm.s32 @p0 $0x1  }
0x13: {  	[smem:$0x3FB2] =	sst s0;
	s0 =	simm.s32 @!p1 $0x0  }
0x14: {  	s2 =	sld [smem:$0x3F96];
	s0 =	simm.s32 @p1 $0x1  }
0x15: {  	[smem:$0x3FB3] =	sst s0;
	s0 =	simm.s32 @!p2 $0x0  }
0x16: {  	s3 =	sld [smem:$0x3FDB];
	s0 =	simm.s32 @p2 $0x1  }
0x17: {  	s4 =	simm.s32 $0x1BF5;
	[smem:$0x3FB5] =	sst s0  }
0x18: {  	s0 =	sld [smem:$0x3F98];
	_ =	swait.ge [sflag:s4], $0x0  }
0x19: {  	s7 =	sld [smem:$0x3F99]  }
0x1a: {  	s8 =	sadd.s32 $0xFFFFE003, lr  }
0x1b: {  	s9 =	sadd.s32 $0xFFFFFEF7, lr;
	s5 =	simm.s32 $0xFFFFFFFF;
	p2 =	slt.u32 s8, $0xFFFFF086  }
0x1c: {  	p1 =	slt.u32 s9, $0xF7A;
	s5 =	simm.s32 @!p2 $0x0  }
0x1d: {  	s5 =	simm.s32 @p1 $0x1;
	p0 =	seq.s32 s7, s2  }
0x1e: {  	s7 =	smul.u32 @!p0 $0xF7A, s2;
	p2 =	seq.s32 @!p0 s5, $0x0  }
0x1f: {  	s9 =	smul.u32 $0xF7A, s1;
	s8 =	simm.s32 @!p0 $0x1BF5;
	p2 =	por !p2, p0  }
0x20: {  	[sflag:s8] =	ssyncset.s32 @!p0 $0xFFFFF086;
	s6 =	sadd.s32 @!p0 s3, s7;
	s7 =	simm.s32 @!p0 $0x108  }
0x21: {  	s3 =	sadd.s32 s3, s9;
	s6 =	sadd.s32 @!p0 $0x88, s6;
	s7 =	simm.s32 @p2 $0x1082  }
0x22: {  	[simem:s7], [sflag:s8] =	dma.local @!p0 [hbm:s6], $0xF7A  }
0x23: {  	s9 =	sor.u32 $0xD0000000, s2;
	s6 =	simm.s32 $0x108;
	_ =	swait.ge @!p0 [sflag:s8], $0x0  }
0x24: {  	s3 =	sadd.s32 $0x88, s3;
	s6 =	simm.s32 @!p1 $0x1082;
	[sflag:s4] =	ssyncset.s32 $0xFFFFF086  }
0x25: {  	[simem:s6], [sflag:s4] =	dma.local [hbm:s3], $0xF7A  }
0x26: {  	[smem:$0x3F99] =	sst s1;
	(tag) =	ssettag s2;
	_ =	strace s9  }
0x27: {  	s1 =	sld [smem:$0x3FA9]  }
0x28: {  	s2 =	sld [smem:$0x3FAA]  }
0x29: {  	s4 =	sld [smem:$0x3FAC]  }
0x2a: {  	p0 =	seq.s32 s5, $0x0;
	s5 =	sld [smem:$0x3FAD]  }
0x2b: {  	s6 =	sld [smem:$0x3FAE]  }
0x2c: {  	s7 =	sld [smem:$0x3FAF]  }
0x2d: {  	s3 =	simm.s32 $0x108;
	s8 =	sld [smem:$0x3FB0]  }
0x2e: {  	s3 =	simm.s32 @!p0 $0x1082;
	s9 =	sld [smem:$0x3FB1]  }
0x2f: {  	lr =	sadd.s32 s0, s3;
	s0 =	sld [smem:$0x3FA8]  }
0x30: {  	s3 =	sld [smem:$0x3FAB]  }
0x31: {  	[smem:$0x3FB4] =	sst s10  }
0x32: {  	s10 =	sld [smem:$0x3FB2];
	_ =	sdelay $0x3  }
0x33: {  	p0 =	seq.s32 s10, $0x1;
	s10 =	sld [smem:$0x3FB4];
	_ =	sdelay $0x3  }
0x34: {  	[smem:$0x3FB4] =	sst s10  }
0x35: {  	s10 =	sld [smem:$0x3FB3];
	_ =	sdelay $0x3  }
0x36: {  	p1 =	seq.s32 s10, $0x1;
	s10 =	sld [smem:$0x3FB4];
	_ =	sdelay $0x3  }
0x37: {  	[smem:$0x3FB4] =	sst s10  }
0x38: {  	s10 =	sld [smem:$0x3FB5]  }
0x39: {  	_ = 	snop;
	(pc) =	sbr.ind lr, $3  }
0x3a: {  	_ = 	snop  }
0x3b: {  	_ = 	snop  }
0x3c: {  	p2 =	seq.s32 s10, $0x1;
	s10 =	sld [smem:$0x3FB4]  }
0x3d: {  	_ =	shalt  }
0x3e: {  	_ =	shalt  }
0x3f: {  	_ =	shalt  }
0x40: {  	_ =	shalt  }
0x41: {  	_ =	shalt  }
0x42: {  	_ =	shalt  }
0x43: {  	_ =	shalt  }
0x44: {  	_ =	shalt  }
0x45: {  	_ =	shalt  }
0x46: {  	_ =	shalt  }
0x47: {  	_ =	shalt  }
0x48: {  	_ =	shalt  }
0x49: {  	_ =	shalt  }
0x4a: {  	_ =	shalt  }
0x4b: {  	_ =	shalt  }
0x4c: {  	_ =	shalt  }
0x4d: {  	_ =	shalt  }
0x4e: {  	_ =	shalt  }
0x4f: {  	_ =	shalt  }
0x50: {  	_ =	shalt  }
0x51: {  	_ =	shalt  }
0x52: {  	_ =	shalt  }
0x53: {  	_ =	shalt  }
0x54: {  	_ =	shalt  }
0x55: {  	_ =	shalt  }
0x56: {  	_ =	shalt  }
0x57: {  	_ =	shalt  }
0x58: {  	_ =	shalt  }
0x59: {  	_ =	shalt  }
0x5a: {  	_ =	shalt  }
0x5b: {  	_ =	shalt  }
0x5c: {  	_ =	shalt  }
0x5d: {  	_ =	shalt  }
0x5e: {  	_ =	shalt  }
0x5f: {  	_ =	shalt  }
0x60: {  	_ =	shalt  }
0x61: {  	_ =	shalt  }
0x62: {  	_ =	shalt  }
0x63: {  	_ =	shalt  }
0x64: {  	_ =	shalt  }
0x65: {  	_ =	shalt  }
0x66: {  	_ =	shalt  }
0x67: {  	_ =	shalt  }
0x68: {  	_ =	shalt  }
0x69: {  	_ =	shalt  }
0x6a: {  	_ =	shalt  }
0x6b: {  	_ =	shalt  }
0x6c: {  	_ =	shalt  }
0x6d: {  	_ =	shalt  }
0x6e: {  	_ =	shalt  }
0x6f: {  	_ =	shalt  }
0x70: {  	_ =	shalt  }
0x71: {  	_ =	shalt  }
0x72: {  	_ =	shalt  }
0x73: {  	_ =	shalt  }
0x74: {  	_ =	shalt  }
0x75: {  	_ =	shalt  }
0x76: {  	_ =	shalt  }
0x77: {  	_ =	shalt  }
0x78: {  	_ =	shalt  }
0x79: {  	_ =	shalt  }
0x7a: {  	_ =	shalt  }
0x7b: {  	_ =	shalt  }
0x7c: {  	_ =	shalt  }
0x7d: {  	_ =	shalt  }
0x7e: {  	_ =	shalt  }
0x7f: {  	_ =	shalt  }
0x80: {  	_ =	shalt  }
0x81: {  	_ =	shalt  }
0x82: {  	_ =	shalt  }
0x83: {  	_ =	shalt  }
0x84: {  	_ =	shalt  }
0x85: {  	_ =	shalt  }
0x86: {  	_ =	shalt  }
0x87: {  	_ =	shalt  }
.Lfunc_end0:
.L_simem_size_0:
called_computation_lowered:
.L_overlay_start_0:
0x88: {  	s2 =	sld [smem:$0x3FD9]  }
0x89: {  	s3 =	sld [smem:$0x3FFE];
	_ =	sdelay $0x1  }
0x8a: {  	s1 =	srdreg.scid  }
0x8b: {  	s0 =	sand.u32 $0x1, s1  }
0x8c: {  	s15 =	sshll.u32 s0, $0xA;
	s2 =	sadd.s32 s3, s2  }
0x8d: {  	s2 =	sadd.s32 s2, s15  }
0x8e: {  	[smem:$0x3FC0] =	sst s2  }
0x8f: {  	_ = 	snop  }
0x90: {  	s2 =	sld [smem:$0x3FD0];
	_ =	sdelay $0x2  }
0x91: {  	s16 =	simm.s32 $0xB;
	s4 =	simm.s32 $0x10  }
0x92: {  	[smem:s4], [sflag:s16] =	dma.local [hbm:s2], $0x1  }
0x93: {  	_ =	swait.eq [sflag:s16], $0x1  }
0x94: {  	[sflag:s16] =	ssyncset.done $0x0  }
0x95: {  	[sflag:s16] =	ssyncadd.s32 $0xFFFFFFFF  }
0x96: {  	s17 =	sld [smem:$0x11];
	(tm) =	ssettm $0x1  }
0x97: {  	s18 =	sld [smem:$0x3FFB];
	_ =	sdelay $0x3  }
0x98: {  	_ =	strace s18  }
0x99: {  	s2 =	sld [smem:$0x3FFC];
	_ =	sdelay $0x3  }
0x9a: {  	_ =	strace s2  }
0x9b: {  	s2 =	sld [smem:$0x3FFD];
	_ =	sdelay $0x3  }
0x9c: {  	_ =	strace s2  }
0x9d: {  	_ =	strace $0x8FFFFFFF  }
0x9e: {  	s19 =	sld [smem:$0x3FDB];
	_ =	sdelay $0x1  }
0x9f: {  	s20 =	simm.s32 $_scs_section_size  }
0xa0: {  	s5 =	simm.s32 $_size__tile_overlayer_lowered;
	s6 =	simm.s32 $_tile_overlayer_lowered  }
0xa1: {  	s7 =	simm.s32 $0x1BFF;
	s21 =	sshll.u32 s6, $0x1;
	s4 =	sadd.s32 s20, s19  }
0xa2: {  	s22 =	simm.s32 $0x0;
	s5 =	sshll.u32 s5, $0x1;
	s6 =	sadd.s32 s21, s4  }
0xa3: {  	[timem:s22], [sflag:s7] =	dma.local [hbm:s6], s5  }
0xa4: {  	_ =	swait.ge [sflag:s7], s5  }
0xa5: {  	s5 =	ssub.s32 $0x0, s5;
	[sflag:s7] =	ssyncset.done $0x0  }
0xa6: {  	[sflag:s7] =	ssyncadd.s32 s5;
	_ =	sdelay $0x1  }
0xa7: {  	s23 =	simm.s32 $0x1B8B  }
0xa8: {  	_ =	swait.ge [sflag:s23], $0x1  }
0xa9: {  	[sflag:s23] =	ssyncset.done $0x0  }
0xaa: {  	[sflag:s23] =	ssyncadd.s32 $0xFFFFFFFF  }
0xab: {  	s5 =	sld [smem:$0x0]  }
0xac: {  	s6 =	sand.u32 $0xFFFFFFFE, s1  }
0xad: {  	p0 =	sne.s32 s1, s6  }
0xae: {  	s6 =	sshll.u32 @p0 s6, $0xE  }
0xaf: {  	s6 =	sadd.s32 @p0 $0x11B8D, s6;
	s7 =	sshll.u32 @p0 s5, $0x11  }
0xb0: {  	s6 =	sor.u32 @p0 s7, s6  }
0xb1: {  	[sflag:s6] =	ssyncadd.remote.s32 @p0 $0x1;
	_ =	sdelay $0x1  }
0xb2: {  	s6 =	simm.s32 @p0 $0x1B8D  }
0xb3: {  	_ =	swait.eq @p0 [sflag:s6], $0x1  }
0xb4: {  	[sflag:s6] =	ssyncadd.s32 @p0 $0xFFFFFFFF  }
0xb5: {  	s7 =	sshll.u32 @!p0 s1, $0xE  }
0xb6: {  	s7 =	sor.u32 @!p0 $0x4000, s7;
	s6 =	simm.s32 @!p0 $0x1B8D  }
0xb7: {  	s5 =	sshll.u32 @!p0 s5, $0x11;
	s7 =	sadd.s32 @!p0 $0x11B8D, s7;
	_ =	swait.eq @!p0 [sflag:s6], $0x1  }
0xb8: {  	s5 =	sor.u32 @!p0 s5, s7;
	[sflag:s6] =	ssyncadd.s32 @!p0 $0xFFFFFFFF  }
0xb9: {  	s25 =	simm.s32 $0x1B8E;
	s24 =	sld [smem:$0x3FFE];
	[sflag:s5] =	ssyncadd.remote.s32 @!p0 $0x1  }
0xba: {  	s26 =	simm.s32 $execute0_lowered;
	[smem:$0x3FD2] =	sst s25  }
0xbb: {  	s6 =	sshll.u32 s26, $0x1;
	_ =	strace $0x80000049;
	[dreg:$0x1] =	wrdreg $0xFFFFFFFF  }
0xbc: {  	s28 =	simm.s32 $_size_execute0_lowered;
	s4 =	sadd.s32 s4, s6;
	[dreg:$0x0] =	wrdreg $0x0  }
0xbd: {  	s6 =	sshll.u32 s28, $0x1;
	[dreg:$0x2] =	wrdreg s4  }
0xbe: {  	[dreg:$0x3] =	wrdreg s6  }
0xbf: {  	[dreg:$0x4] =	wrdreg $0xC0  }
0xc0: {  	_ =	task [dreg:s22], $0x5FFFF  }
0xc1: {  	[dreg:$0x1] =	wrdreg $0xFFFFFFFF  }
0xc2: {  	[dreg:$0x0] =	wrdreg $0x60  }
0xc3: {  	[dreg:$0x2] =	wrdreg s24  }
0xc4: {  	[dreg:$0x3] =	wrdreg s17  }
0xc5: {  	[dreg:$0x4] =	wrdreg $0x9  }
0xc6: {  	_ =	task.clear_ibuf [dreg:s22], $0x5FFFF;
	_ =	strace $0x90000049  }
0xc7: {  	s29 =	simm.s32 $0x9;
	_ =	strace $0x8000004B  }
0xc8: {  	_ =	swait.ge [sflag:s29], $0x1  }
0xc9: {  	[sflag:s29] =	ssyncadd.s32 $0xFFFFFFFF  }
0xca: {  	_ =	strace $0x9000004B  }
0xcb: {  	_ =	sfence  }
0xcc: {  	s30 =	sld [smem:$0x0];
	_ =	sdelay $0x2  }
0xcd: {  	s31 =	sshll.u32 s1, $0xD;
	s1 =	sshrl.u32 s1, $0x2  }
0xce: {  	s4 =	sand.u32 $0x4000, s31;
	s1 =	sadd.s32 s1, s30  }
0xcf: {  	s0 =	sor.u32 s4, s0;
	s1 =	sshll.u32 s1, $0x11  }
0xd0: {  	s0 =	sor.u32 s1, s0  }
0xd1: {  	s0 =	sadd.s32 $0x8F2B, s0  }
0xd2: {  	[sflag:s0] =	ssyncadd.remote.s32 $0x1  }
0xd3: {  	_ =	sfence.sel $0xFFFF  }
0xd4: {  	[dreg:$0x0] =	wrdreg $0xFFFFFFFF;
	(pc) =	sbr.abs _section_cstart, $3  }
0xd5: {  	[dreg:$0x1] =	wrdreg $0xFFFFFFFF  }
0xd6: {  	_ =	task.clear_ibuf [dreg:s22], $0x2FFFF;
	_ =	strace $0x9FFFFFFF  }
0xd7: {  	(tm) =	ssettm $0x7FFFFFFF  }
tec
execute0_lowered:
.L_overlay_start_1:
0x0: {  	(tag) =	ssettag $0x1  }
0x1: {  	s1 =	srdreg.scid  }
0x2: {  	s0 =	stileid.u32;
	s3 =	rddreg [dreg:$0x0]  }
0x3: {  	s5 =	rddreg [dreg:$0x1];
	s2 =	simm.s32 $0x0;
	s12 =	simm.s32 $0x4B00  }
0x4: {  	s4 =	sand.u32 $0x1, s1;
	s26 =	sshll.u32 s0, $0x1;
	s1 =	rddreg [dreg:$0x2]  }
0x5: {  	s7 =	sshrl.u32 s0, $0x2;
	[smem:$0x7FF] =	sst s2;
	s6 =	sor.u32 s4, s26  }
0x6: {  	s9 =	sshll.u32 s7, $0x10;
	_ =	strace $0x8000004A;
	s4 =	ssub.s32 $0x2, s4  }
0x7: {  	s7 =	sshll.u32 s7, $0xB;
	s8 =	sshll.u32 s6, $0x7;
	s28 =	sshrl.u32 s4, $0x1  }
0x8: {  	s29 =	sshll.u32 s6, $0x3;
	s8 =	sand.u32 $0x380, s8;
	s10 =	ssub.s32 s4, s28  }
0x9: {  	v0 =	vlaneseq.u32;
	s11 =	ssub.s32 $0x0, s29;
	s9 =	sor.u32 s9, s8;
	s30 =	sor.u32 s7, s8  }
0xa: {  	v0 =	vmul.u32 $0xB0, v0;
	s6 =	smax.u32 s10, $0x1;
	s7 =	simm.s32 $0x80;
	s8 =	simm.s32 $0x400  }
0xb: {  	s10 =	simm.s32 $0x2000;
	s9 =	sshrl.u32 s9, $0x3;
	s31 =	sshrl.u32 s30, $0x3  }
0xc: {  	v0 =	vadd.s32 s11, v0;
	s11 =	simm.s32 $0x4000;
	s9 =	sadd.s32 s9, s3;
	s5 =	sadd.s32 s5, s31  }
0xd: {  	v1 =	vimm.f32 $0.0e+00;
	v2 =	vimm.f32 $1.000000000e+00;
	s3 =	sadd.s32 $0x1A000, s9;
	s4 =	sadd.s32 $0x22000, s9;
	s9 =	simm.s32 $0x1  }
.LBB2_1:
0xe: {  	s13 =	simm.s32 $0x40;
	s14 =	simm.s32 $0x0  }
.LBB2_2:
0xf: {  	p0 =	sne.s32 s13, $0x2BC0;
	[tilespmem:s14+$0x4000] =	vst v1;
	s14 =	smov.u32 s13;
	s13 =	sadd.s32 $0x40, s13  }
.Ltmp0:
0x10: {  	(pc) =	sbr.rel @p0 .LBB2_2-.Ltmp0, $2  }
0x11: {  	_ =	sdelay $0x2  }
0x12: {  	s14 =	sshra.s32 s14, $0x2  }
0x13: {  	[tilespmem:s14+$0x4000] =	vst v1;
	s14 =	simm.s32 $0x0  }
0x14: {  	[tilespmem:s14], [sflag:$0x1] =	stream.strided.gather [hbm4b:s3+s7], $0x2000, s8, s7, $0x38;
	[tilespmem:$0x4C00] =	vst v63  }
0x15: {  	_ =	swait.ge [sflag:s9], $0x2000  }
0x16: {  	[sflag:s9] =	ssyncset.done $0x0  }
0x17: {  	[sflag:s9] =	ssyncadd.s32 $0xFFFFE000  }
0x18: {  	[tilespmem:s10], [sflag:$0x1] =	stream.strided.gather [hbm4b:s4+s7], $0x2000, s8, s7, $0x38;
	[tilespmem:$0x4C00] =	vst v63  }
0x19: {  	_ =	swait.ge [sflag:s9], $0x2000  }
0x1a: {  	[sflag:s9] =	ssyncset.done $0x0  }
0x1b: {  	s13 =	simm.s32 $0x0;
	[sflag:s9] =	ssyncadd.s32 $0xFFFFE000  }
.LBB2_4:
0x1c: {  	s15 =	sshra.s32 s13, $0x2  }
0x1d: {  	v3 =	vld [tilespmem:s15+$0x0];
	_ =	sdelay $0x2  }
0x1e: {  	v4 =	vld [tilespmem:s15+$0x2000];
	_ =	sdelay $0x1  }
0x1f: {  	v3 =	vtrunc.f32 v3  }
0x20: {  	v3 =	vcvt.f32.s32 v3;
	_ =	sdelay $0x1  }
0x21: {  	v4 =	vshll.u32 v4, $0x3;
	v3 =	vadd.s32 v3, v0  }
0x22: {  	p0 =	sne.s32 s13, $0x7FC0;
	v3 =	vadd.s32 v4, v3  }
.Ltmp1:
0x23: {  	_ = 	snop;
	(pc) =	sbr.rel @p0 .LBB2_4-.Ltmp1, $2  }
0x24: {  	_ =	sdelay $0x2  }
0x25: {  	s13 =	sadd.s32 $0x40, s13;
	[tilespmem:v3+s11+$0x0] =	vst.idx.add.f32.msk $0xffff, v2  }
0x26: {  	s13 =	simm.s32 $0x4630  }
0x27: {  	v3 =	vld [tilespmem:s13+$0xFFFFF9D0];
	_ =	sdelay $0x1  }
0x28: {  	v4 =	vld [tilespmem:s13+$0xFFFFFA80];
	_ =	sdelay $0x1  }
0x29: {  	v5 =	vld [tilespmem:s13+$0xFFFFFB30]  }
0x2a: {  	v3 =	vadd.f32 $0.0e+00, v3  }
0x2b: {  	v6 =	vld [tilespmem:s13+$0xFFFFFBE0]  }
0x2c: {  	v3 =	vadd.f32 v4, v3  }
0x2d: {  	[tilespmem:s13+$0xFFFFF9D0] =	vst v1;
	v4 =	vld [tilespmem:s13+$0xFFFFFC90]  }
0x2e: {  	[tilespmem:s13+$0xFFFFFA80] =	vst v1;
	v3 =	vadd.f32 v5, v3  }
0x2f: {  	[tilespmem:s13+$0xFFFFFB30] =	vst v1;
	v5 =	vld [tilespmem:s13+$0xFFFFFD40]  }
0x30: {  	[tilespmem:s13+$0xFFFFFBE0] =	vst v1;
	v3 =	vadd.f32 v6, v3  }
0x31: {  	v60 =	vld [tilespmem:s13+$0xFFFFFDF0];
	[tilespmem:s13+$0xFFFFFDF0] =	vst v1  }
0x32: {  	[tilespmem:s13+$0xFFFFFC90] =	vst v1;
	v3 =	vadd.f32 v4, v3  }
0x33: {  	[tilespmem:s13+$0xFFFFFD40] =	vst v1;
	v4 =	vld [tilespmem:s13+$0xFFFFFEA0]  }
0x34: {  	s14 =	sand.u32 $0xF0, s14;
	[tilespmem:s13+$0xFFFFFEA0] =	vst v1;
	v3 =	vadd.f32 v5, v3  }
0x35: {  	v5 =	vld [tilespmem:s14+$0x4580]  }
0x36: {  	[tilespmem:s14+$0x4580] =	vst v1;
	v3 =	vadd.f32 v60, v3  }
0x37: {  	v61 =	vld [tilespmem:s13+$0x0]  }
0x38: {  	v3 =	vadd.f32 v4, v3  }
0x39: {  	v4 =	vld [tilespmem:s13+$0xB0]  }
0x3a: {  	v3 =	vadd.f32 v5, v3  }
0x3b: {  	v5 =	vld [tilespmem:s13+$0x160]  }
0x3c: {  	v3 =	vadd.f32 v61, v3  }
0x3d: {  	v62 =	vld [tilespmem:s13+$0x210]  }
0x3e: {  	v3 =	vadd.f32 v4, v3  }
0x3f: {  	v4 =	vld [tilespmem:s13+$0x2C0]  }
0x40: {  	v3 =	vadd.f32 v5, v3  }
0x41: {  	v5 =	vld [tilespmem:s13+$0x370]  }
0x42: {  	[tilespmem:s13+$0x0] =	vst v1;
	v3 =	vadd.f32 v62, v3  }
0x43: {  	v63 =	vld [tilespmem:s13+$0x420];
	[tilespmem:s13+$0x210] =	vst v1  }
0x44: {  	[tilespmem:s13+$0x420] =	vst v1;
	v3 =	vadd.f32 v4, v3  }
0x45: {  	[tilespmem:s13+$0xB0] =	vst v1  }
0x46: {  	[tilespmem:s13+$0x160] =	vst v1;
	v3 =	vadd.f32 v5, v3  }
0x47: {  	[tilespmem:s13+$0x2C0] =	vst v1  }
0x48: {  	s15 =	simm.s32 $0x10;
	s14 =	simm.s32 $0x4B00;
	[tilespmem:s13+$0x370] =	vst v1;
	v3 =	vadd.f32 v63, v3  }
.LBB2_6:
0x49: {  	_ = 	snop  }
0x4a: {  	p0 =	sne.s32 s15, $0xA0;
	s13 =	sadd.s32 $0x10, s13;
	[tilespmem:s14+$0x0] =	vst v3;
	s14 =	sadd.s32 $0x10, s14  }
0x4b: {  	s16 =	smov.u32 s15;
	s15 =	sadd.s32 $0x10, s15;
	v3 =	vld [tilespmem:s13+$0xFFFFF9D0];
	_ =	sdelay $0x1  }
0x4c: {  	v4 =	vld [tilespmem:s13+$0xFFFFFA80];
	_ =	sdelay $0x1  }
0x4d: {  	v5 =	vld [tilespmem:s13+$0xFFFFFB30]  }
0x4e: {  	v3 =	vadd.f32 $0.0e+00, v3  }
0x4f: {  	v6 =	vld [tilespmem:s13+$0xFFFFFBE0]  }
0x50: {  	v3 =	vadd.f32 v4, v3  }
0x51: {  	[tilespmem:s13+$0xFFFFF9D0] =	vst v1;
	v4 =	vld [tilespmem:s13+$0xFFFFFC90]  }
0x52: {  	[tilespmem:s13+$0xFFFFFA80] =	vst v1;
	v3 =	vadd.f32 v5, v3  }
0x53: {  	[tilespmem:s13+$0xFFFFFB30] =	vst v1;
	v5 =	vld [tilespmem:s13+$0xFFFFFD40]  }
0x54: {  	v3 =	vadd.f32 v6, v3;
	[tilespmem:s13+$0xFFFFFC90] =	vst v1  }
0x55: {  	[tilespmem:s13+$0xFFFFFBE0] =	vst v1;
	v6 =	vld [tilespmem:s13+$0xFFFFFDF0]  }
0x56: {  	v3 =	vadd.f32 v4, v3;
	[tilespmem:s13+$0xFFFFFDF0] =	vst v1  }
0x57: {  	[tilespmem:s13+$0xFFFFFD40] =	vst v1;
	v4 =	vld [tilespmem:s13+$0xFFFFFEA0]  }
0x58: {  	s16 =	sand.u32 $0xF0, s16;
	v3 =	vadd.f32 v5, v3;
	[tilespmem:s13+$0xFFFFFEA0] =	vst v1  }
0x59: {  	v5 =	vld [tilespmem:s16+$0x4580]  }
0x5a: {  	v3 =	vadd.f32 v6, v3;
	[tilespmem:s16+$0x4580] =	vst v1  }
0x5b: {  	v6 =	vld [tilespmem:s13+$0x0]  }
0x5c: {  	v3 =	vadd.f32 v4, v3;
	[tilespmem:s13+$0x0] =	vst v1  }
0x5d: {  	v4 =	vld [tilespmem:s13+$0xB0]  }
0x5e: {  	v3 =	vadd.f32 v5, v3;
	[tilespmem:s13+$0xB0] =	vst v1  }
0x5f: {  	v5 =	vld [tilespmem:s13+$0x160]  }
0x60: {  	v3 =	vadd.f32 v6, v3;
	[tilespmem:s13+$0x160] =	vst v1  }
0x61: {  	v6 =	vld [tilespmem:s13+$0x210]  }
0x62: {  	v3 =	vadd.f32 v4, v3;
	[tilespmem:s13+$0x210] =	vst v1  }
0x63: {  	v4 =	vld [tilespmem:s13+$0x2C0]  }
0x64: {  	v3 =	vadd.f32 v5, v3;
	[tilespmem:s13+$0x2C0] =	vst v1  }
0x65: {  	v5 =	vld [tilespmem:s13+$0x370]  }
0x66: {  	v3 =	vadd.f32 v6, v3;
	[tilespmem:s13+$0x370] =	vst v1  }
0x67: {  	v6 =	vld [tilespmem:s13+$0x420]  }
.Ltmp2:
0x68: {  	v3 =	vadd.f32 v4, v3;
	[tilespmem:s13+$0x420] =	vst v1;
	(pc) =	sbr.rel @p0 .LBB2_6-.Ltmp2, $3  }
0x69: {  	_ = 	snop  }
0x6a: {  	v3 =	vadd.f32 v5, v3;
	_ =	sdelay $0x1  }
0x6b: {  	v3 =	vadd.f32 v6, v3  }
0x6c: {  	s2 =	sadd.s32 $0x1, s2  }
0x6d: {  	p0 =	sne.s32 s2, s6  }
.Ltmp3:
0x6e: {  	[tilespmem:s14+$0x0] =	vst v3;
	(pc) =	sbr.rel @p0 .LBB2_1-.Ltmp3, $4  }
0x6f: {  	[hbm4b:s5+s7] =	stream.strided.scatter [tilespmem:s12], [sflag:$0x1], $0x100, s8, s7, $0x38;
	[tilespmem:$0x4C00] =	vst v63  }
0x70: {  	_ =	swait.ge [sflag:s9], $0x100  }
0x71: {  	[sflag:s9] =	ssyncset.done $0x0  }
0x72: {  	[sflag:s9] =	ssyncadd.s32 $0xFFFFFF00  }
0x73: {  	_ =	sfence.sel $0x180000  }
0x74: {  	[bflag:$0x0] =	sbarrier.arrive $0xFFFF  }
0x75: {  	p0 =	sne.s32 s0, $0x0;
	_ =	strace $0x9000004A  }
0x76: {  	s0 =	sadd.s32 @!p0 $0x100000, s1;
	[bflag:$0x2] =	sbarrier.arrive $0xFFFF  }
0x77: {  	[sflag:s0] =	ssyncadd.tile.s32 @!p0 $0x1;
	_ =	shalt  }
.Lfunc_end2:
_tile_overlayer_lowered:
.L_overlay_start_2:
0x78: {  	(tag) =	ssettag $0x2  }
0x79: {  	s0 =	rddreg [dreg:$0x0];
	s2 =	stileid.u32  }
0x7a: {  	s1 =	rddreg [dreg:$0x1];
	p0 =	sne.s32 s2, $0x0  }
0x7b: {  	s3 =	rddreg [dreg:$0x2];
	[bflag:$0x3] =	sbarrier.arrive $0xFFFF;
	s2 =	simm.s32 @!p0 $0x1C01  }
0x7c: {  	[timem:s3], [sflag:s2] =	dma.local @!p0 [hbm:s0], s1  }
0x7d: {  	s0 =	simm.s32 @!p0 $0x1  }
0x7e: {  	_ =	swait.ge @!p0 [sflag:s0], s1  }
0x7f: {  	s1 =	ssub.s32 @!p0 $0x0, s1;
	[sflag:s0] =	ssyncset.done @!p0 $0x0  }
0x80: {  	[sflag:s0] =	ssyncadd.s32 @!p0 s1  }
0x81: {  	[bflag:$0x3] =	sbarrier.arrive $0xFFFF  }
0x82: {  	_ =	shalt  }

// kernel: kernel.9.cloned.1.call-start
scs
__scs_entry_jumppad:
0x0: {  	(pc) =	sbr.rel $0x88, $3  }
0x1: {  	(tag) =	ssettag $0x0;
	lr =	simm.s32 $0x1  }
0x2: {  	[smem:$0x3F99] =	sst lr;
	_ =	strace $0xD0000000  }
0x3: {  	_ = 	snop  }
0x4: {  	_ = 	snop  }
0x5: {  	_ = 	snop  }
0x6: {  	_ = 	snop  }
0x7: {  	_ = 	snop  }
__scs_overlays_trampoline_lowered:
0x8: {  	[smem:$0x3FA8] =	sst s0  }
0x9: {  	[smem:$0x3FA9] =	sst s1  }
0xa: {  	[smem:$0x3FAA] =	sst s2  }
0xb: {  	[smem:$0x3FAB] =	sst s3  }
0xc: {  	[smem:$0x3FAC] =	sst s4  }
0xd: {  	[smem:$0x3FAD] =	sst s5  }
0xe: {  	[smem:$0x3FAE] =	sst s6  }
0xf: {  	[smem:$0x3FAF] =	sst s7  }
0x10: {  	[smem:$0x3FB0] =	sst s8  }
0x11: {  	[smem:$0x3FB1] =	sst s9;
	s0 =	simm.s32 @!p0 $0x0  }
0x12: {  	s1 =	sld [smem:$0x3F97];
	s0 =	simm.s32 @p0 $0x1  }
0x13: {  	[smem:$0x3FB2] =	sst s0;
	s0 =	simm.s32 @!p1 $0x0  }
0x14: {  	s2 =	sld [smem:$0x3F96];
	s0 =	simm.s32 @p1 $0x1  }
0x15: {  	[smem:$0x3FB3] =	sst s0;
	s0 =	simm.s32 @!p2 $0x0  }
0x16: {  	s3 =	sld [smem:$0x3FDB];
	s0 =	simm.s32 @p2 $0x1  }
0x17: {  	s4 =	simm.s32 $0x1BF5;
	[smem:$0x3FB5] =	sst s0  }
0x18: {  	s0 =	sld [smem:$0x3F98];
	_ =	swait.ge [sflag:s4], $0x0  }
0x19: {  	s7 =	sld [smem:$0x3F99]  }
0x1a: {  	s8 =	sadd.s32 $0xFFFFE003, lr  }
0x1b: {  	s9 =	sadd.s32 $0xFFFFFEF7, lr;
	s5 =	simm.s32 $0xFFFFFFFF;
	p2 =	slt.u32 s8, $0xFFFFF086  }
0x1c: {  	p1 =	slt.u32 s9, $0xF7A;
	s5 =	simm.s32 @!p2 $0x0  }
0x1d: {  	s5 =	simm.s32 @p1 $0x1;
	p0 =	seq.s32 s7, s2  }
0x1e: {  	s7 =	smul.u32 @!p0 $0xF7A, s2;
	p2 =	seq.s32 @!p0 s5, $0x0  }
0x1f: {  	s9 =	smul.u32 $0xF7A, s1;
	s8 =	simm.s32 @!p0 $0x1BF5;
	p2 =	por !p2, p0  }
0x20: {  	[sflag:s8] =	ssyncset.s32 @!p0 $0xFFFFF086;
	s6 =	sadd.s32 @!p0 s3, s7;
	s7 =	simm.s32 @!p0 $0x108  }
0x21: {  	s3 =	sadd.s32 s3, s9;
	s6 =	sadd.s32 @!p0 $0x88, s6;
	s7 =	simm.s32 @p2 $0x1082  }
0x22: {  	[simem:s7], [sflag:s8] =	dma.local @!p0 [hbm:s6], $0xF7A  }
0x23: {  	s9 =	sor.u32 $0xD0000000, s2;
	s6 =	simm.s32 $0x108;
	_ =	swait.ge @!p0 [sflag:s8], $0x0  }
0x24: {  	s3 =	sadd.s32 $0x88, s3;
	s6 =	simm.s32 @!p1 $0x1082;
	[sflag:s4] =	ssyncset.s32 $0xFFFFF086  }
0x25: {  	[simem:s6], [sflag:s4] =	dma.local [hbm:s3], $0xF7A  }
0x26: {  	[smem:$0x3F99] =	sst s1;
	(tag) =	ssettag s2;
	_ =	strace s9  }
0x27: {  	s1 =	sld [smem:$0x3FA9]  }
0x28: {  	s2 =	sld [smem:$0x3FAA]  }
0x29: {  	s4 =	sld [smem:$0x3FAC]  }
0x2a: {  	p0 =	seq.s32 s5, $0x0;
	s5 =	sld [smem:$0x3FAD]  }
0x2b: {  	s6 =	sld [smem:$0x3FAE]  }
0x2c: {  	s7 =	sld [smem:$0x3FAF]  }
0x2d: {  	s3 =	simm.s32 $0x108;
	s8 =	sld [smem:$0x3FB0]  }
0x2e: {  	s3 =	simm.s32 @!p0 $0x1082;
	s9 =	sld [smem:$0x3FB1]  }
0x2f: {  	lr =	sadd.s32 s0, s3;
	s0 =	sld [smem:$0x3FA8]  }
0x30: {  	s3 =	sld [smem:$0x3FAB]  }
0x31: {  	[smem:$0x3FB4] =	sst s10  }
0x32: {  	s10 =	sld [smem:$0x3FB2];
	_ =	sdelay $0x3  }
0x33: {  	p0 =	seq.s32 s10, $0x1;
	s10 =	sld [smem:$0x3FB4];
	_ =	sdelay $0x3  }
0x34: {  	[smem:$0x3FB4] =	sst s10  }
0x35: {  	s10 =	sld [smem:$0x3FB3];
	_ =	sdelay $0x3  }
0x36: {  	p1 =	seq.s32 s10, $0x1;
	s10 =	sld [smem:$0x3FB4];
	_ =	sdelay $0x3  }
0x37: {  	[smem:$0x3FB4] =	sst s10  }
0x38: {  	s10 =	sld [smem:$0x3FB5]  }
0x39: {  	_ = 	snop;
	(pc) =	sbr.ind lr, $3  }
0x3a: {  	_ = 	snop  }
0x3b: {  	_ = 	snop  }
0x3c: {  	p2 =	seq.s32 s10, $0x1;
	s10 =	sld [smem:$0x3FB4]  }
0x3d: {  	_ =	shalt  }
0x3e: {  	_ =	shalt  }
0x3f: {  	_ =	shalt  }
0x40: {  	_ =	shalt  }
0x41: {  	_ =	shalt  }
0x42: {  	_ =	shalt  }
0x43: {  	_ =	shalt  }
0x44: {  	_ =	shalt  }
0x45: {  	_ =	shalt  }
0x46: {  	_ =	shalt  }
0x47: {  	_ =	shalt  }
0x48: {  	_ =	shalt  }
0x49: {  	_ =	shalt  }
0x4a: {  	_ =	shalt  }
0x4b: {  	_ =	shalt  }
0x4c: {  	_ =	shalt  }
0x4d: {  	_ =	shalt  }
0x4e: {  	_ =	shalt  }
0x4f: {  	_ =	shalt  }
0x50: {  	_ =	shalt  }
0x51: {  	_ =	shalt  }
0x52: {  	_ =	shalt  }
0x53: {  	_ =	shalt  }
0x54: {  	_ =	shalt  }
0x55: {  	_ =	shalt  }
0x56: {  	_ =	shalt  }
0x57: {  	_ =	shalt  }
0x58: {  	_ =	shalt  }
0x59: {  	_ =	shalt  }
0x5a: {  	_ =	shalt  }
0x5b: {  	_ =	shalt  }
0x5c: {  	_ =	shalt  }
0x5d: {  	_ =	shalt  }
0x5e: {  	_ =	shalt  }
0x5f: {  	_ =	shalt  }
0x60: {  	_ =	shalt  }
0x61: {  	_ =	shalt  }
0x62: {  	_ =	shalt  }
0x63: {  	_ =	shalt  }
0x64: {  	_ =	shalt  }
0x65: {  	_ =	shalt  }
0x66: {  	_ =	shalt  }
0x67: {  	_ =	shalt  }
0x68: {  	_ =	shalt  }
0x69: {  	_ =	shalt  }
0x6a: {  	_ =	shalt  }
0x6b: {  	_ =	shalt  }
0x6c: {  	_ =	shalt  }
0x6d: {  	_ =	shalt  }
0x6e: {  	_ =	shalt  }
0x6f: {  	_ =	shalt  }
0x70: {  	_ =	shalt  }
0x71: {  	_ =	shalt  }
0x72: {  	_ =	shalt  }
0x73: {  	_ =	shalt  }
0x74: {  	_ =	shalt  }
0x75: {  	_ =	shalt  }
0x76: {  	_ =	shalt  }
0x77: {  	_ =	shalt  }
0x78: {  	_ =	shalt  }
0x79: {  	_ =	shalt  }
0x7a: {  	_ =	shalt  }
0x7b: {  	_ =	shalt  }
0x7c: {  	_ =	shalt  }
0x7d: {  	_ =	shalt  }
0x7e: {  	_ =	shalt  }
0x7f: {  	_ =	shalt  }
0x80: {  	_ =	shalt  }
0x81: {  	_ =	shalt  }
0x82: {  	_ =	shalt  }
0x83: {  	_ =	shalt  }
0x84: {  	_ =	shalt  }
0x85: {  	_ =	shalt  }
0x86: {  	_ =	shalt  }
0x87: {  	_ =	shalt  }
.Lfunc_end0:
.L_simem_size_0:
called_computation.1_lowered:
.L_overlay_start_0:
0x88: {  	s2 =	sld [smem:$0x3FD9]  }
0x89: {  	s3 =	sld [smem:$0x3FFE];
	_ =	sdelay $0x1  }
0x8a: {  	s1 =	srdreg.scid  }
0x8b: {  	s0 =	sand.u32 $0x1, s1  }
0x8c: {  	s16 =	sshll.u32 s0, $0xA;
	s2 =	sadd.s32 s3, s2  }
0x8d: {  	s2 =	sadd.s32 s2, s16  }
0x8e: {  	[smem:$0x3FC0] =	sst s2  }
0x8f: {  	_ = 	snop  }
0x90: {  	(tm) =	ssettm $0x1  }
0x91: {  	s17 =	sld [smem:$0x3FFB];
	_ =	sdelay $0x3  }
0x92: {  	_ =	strace s17  }
0x93: {  	s2 =	sld [smem:$0x3FFC];
	_ =	sdelay $0x3  }
0x94: {  	_ =	strace s2  }
0x95: {  	s2 =	sld [smem:$0x3FFD];
	_ =	sdelay $0x3  }
0x96: {  	_ =	strace s2  }
0x97: {  	_ =	strace $0x8FFFFFFF  }
0x98: {  	s18 =	sld [smem:$0x3FDB];
	_ =	sdelay $0x1  }
0x99: {  	s19 =	simm.s32 $_scs_section_size  }
0x9a: {  	s4 =	simm.s32 $_size__tile_overlayer_lowered;
	s5 =	simm.s32 $_tile_overlayer_lowered  }
0x9b: {  	s22 =	simm.s32 $0x1BFF;
	s21 =	sshll.u32 s5, $0x1;
	s2 =	sadd.s32 s19, s18  }
0x9c: {  	s6 =	simm.s32 $0x0;
	s20 =	sshll.u32 s4, $0x1;
	s4 =	sadd.s32 s21, s2  }
0x9d: {  	[timem:s6], [sflag:s22] =	dma.local [hbm:s4], s20  }
0x9e: {  	_ =	swait.ge [sflag:s22], s20  }
0x9f: {  	s3 =	ssub.s32 $0x0, s20;
	[sflag:s22] =	ssyncset.done $0x0  }
0xa0: {  	[sflag:s22] =	ssyncadd.s32 s3;
	_ =	sdelay $0x1  }
0xa1: {  	s23 =	simm.s32 $0x1B8B  }
0xa2: {  	_ =	swait.ge [sflag:s23], $0x1  }
0xa3: {  	[sflag:s23] =	ssyncset.done $0x0  }
0xa4: {  	s25 =	simm.s32 $0x1B8E;
	s24 =	sld [smem:$0x3FFE];
	[sflag:s23] =	ssyncadd.s32 $0xFFFFFFFF  }
0xa5: {  	s26 =	simm.s32 $execute0_lowered;
	[smem:$0x3FD2] =	sst s25  }
0xa6: {  	s4 =	sshll.u32 s26, $0x1;
	_ =	strace $0x80000046;
	[dreg:$0x1] =	wrdreg $0xFFFFFFFF  }
0xa7: {  	s28 =	simm.s32 $_size_execute0_lowered;
	s2 =	sadd.s32 s2, s4;
	[dreg:$0x0] =	wrdreg $0x0  }
0xa8: {  	s4 =	sshll.u32 s28, $0x1;
	[dreg:$0x2] =	wrdreg s2  }
0xa9: {  	[dreg:$0x3] =	wrdreg s4  }
0xaa: {  	[dreg:$0x4] =	wrdreg $0xC0  }
0xab: {  	_ =	task [dreg:s6], $0x5FFFF  }
0xac: {  	[dreg:$0x1] =	wrdreg $0xFFFFFFFF  }
0xad: {  	[dreg:$0x0] =	wrdreg $0x60  }
0xae: {  	[dreg:$0x2] =	wrdreg s24  }
0xaf: {  	[dreg:$0x3] =	wrdreg $0xA  }
0xb0: {  	_ =	task.clear_ibuf [dreg:s6], $0x4FFFF;
	_ =	strace $0x90000046  }
0xb1: {  	s29 =	simm.s32 $0xA;
	_ =	strace $0x80000048  }
0xb2: {  	_ =	swait.ge [sflag:s29], $0x1  }
0xb3: {  	[sflag:s29] =	ssyncadd.s32 $0xFFFFFFFF  }
0xb4: {  	_ =	strace $0x90000048  }
0xb5: {  	_ =	sfence  }
0xb6: {  	s30 =	sld [smem:$0x0];
	_ =	sdelay $0x2  }
0xb7: {  	s31 =	sshll.u32 s1, $0xD;
	s1 =	sshrl.u32 s1, $0x2  }
0xb8: {  	s3 =	sand.u32 $0x4000, s31;
	s1 =	sadd.s32 s1, s30  }
0xb9: {  	s0 =	sor.u32 s3, s0;
	s1 =	sshll.u32 s1, $0x11  }
0xba: {  	s0 =	sor.u32 s1, s0  }
0xbb: {  	s0 =	sadd.s32 $0x8F2B, s0  }
0xbc: {  	[sflag:s0] =	ssyncadd.remote.s32 $0x1  }
0xbd: {  	_ =	sfence.sel $0xFFFF  }
0xbe: {  	[dreg:$0x0] =	wrdreg $0xFFFFFFFF;
	(pc) =	sbr.abs _section_cstart, $3  }
0xbf: {  	[dreg:$0x1] =	wrdreg $0xFFFFFFFF  }
0xc0: {  	_ =	task.clear_ibuf [dreg:s6], $0x2FFFF;
	_ =	strace $0x9FFFFFFF  }
0xc1: {  	(tm) =	ssettm $0x7FFFFFFF  }
tec
execute0_lowered:
.L_overlay_start_1:
0x0: {  	(tag) =	ssettag $0x1  }
0x1: {  	s1 =	srdreg.scid  }
0x2: {  	s0 =	stileid.u32;
	s4 =	rddreg [dreg:$0x0]  }
0x3: {  	s2 =	simm.s32 $0x0;
	s9 =	simm.s32 $0x1;
	s11 =	simm.s32 $0x4000  }
0x4: {  	s12 =	simm.s32 $0x4B00;
	s3 =	sand.u32 $0x1, s1;
	s1 =	rddreg [dreg:$0x1]  }
0x5: {  	s28 =	sshll.u32 s0, $0x1;
	s6 =	sshrl.u32 s0, $0x2;
	[smem:$0x7FF] =	sst s2  }
0x6: {  	s5 =	sor.u32 s3, s28;
	s8 =	sshll.u32 s6, $0x10;
	s6 =	sshll.u32 s6, $0xB  }
0x7: {  	_ =	strace $0x80000047;
	s3 =	ssub.s32 $0x2, s3;
	s7 =	sshll.u32 s5, $0x7  }
0x8: {  	v0 =	vlaneseq.u32;
	s30 =	sshrl.u32 s3, $0x1;
	s5 =	sshll.u32 s5, $0x3;
	s7 =	sand.u32 $0x380, s7  }
0x9: {  	v0 =	vmul.u32 $0xB0, v0;
	s31 =	ssub.s32 s3, s30;
	s10 =	ssub.s32 $0x0, s5;
	s8 =	sor.u32 s8, s7  }
0xa: {  	s6 =	sor.u32 s6, s7;
	s7 =	simm.s32 $0x80;
	s8 =	sshrl.u32 s8, $0x3  }
0xb: {  	v0 =	vadd.s32 s10, v0;
	s10 =	simm.s32 $0x2000;
	s6 =	sshrl.u32 s6, $0x3;
	s29 =	sadd.s32 s8, s4  }
0xc: {  	s6 =	sadd.s32 s6, s4;
	s8 =	simm.s32 $0x400;
	s3 =	sadd.s32 $0x9C00, s29  }
0xd: {  	v1 =	vimm.f32 $0.0e+00;
	v2 =	vimm.f32 $1.000000000e+00;
	s4 =	sadd.s32 $0x11C00, s29;
	s5 =	sadd.s32 $0x19C00, s6;
	s6 =	smax.u32 s31, $0x1  }
.LBB2_1:
0xe: {  	s13 =	simm.s32 $0x40;
	s14 =	simm.s32 $0x0  }
.LBB2_2:
0xf: {  	p0 =	sne.s32 s13, $0x2BC0;
	[tilespmem:s14+$0x4000] =	vst v1;
	s14 =	smov.u32 s13;
	s13 =	sadd.s32 $0x40, s13  }
.Ltmp0:
0x10: {  	(pc) =	sbr.rel @p0 .LBB2_2-.Ltmp0, $2  }
0x11: {  	_ =	sdelay $0x2  }
0x12: {  	s14 =	sshra.s32 s14, $0x2  }
0x13: {  	[tilespmem:s14+$0x4000] =	vst v1;
	s14 =	simm.s32 $0x0  }
0x14: {  	[tilespmem:s14], [sflag:$0x1] =	stream.strided.gather [hbm4b:s3+s7], $0x2000, s8, s7, $0x38;
	[tilespmem:$0x4C00] =	vst v63  }
0x15: {  	_ =	swait.ge [sflag:s9], $0x2000  }
0x16: {  	[sflag:s9] =	ssyncset.done $0x0  }
0x17: {  	[sflag:s9] =	ssyncadd.s32 $0xFFFFE000  }
0x18: {  	[tilespmem:s10], [sflag:$0x1] =	stream.strided.gather [hbm4b:s4+s7], $0x2000, s8, s7, $0x38;
	[tilespmem:$0x4C00] =	vst v63  }
0x19: {  	_ =	swait.ge [sflag:s9], $0x2000  }
0x1a: {  	[sflag:s9] =	ssyncset.done $0x0  }
0x1b: {  	s13 =	simm.s32 $0x0;
	[sflag:s9] =	ssyncadd.s32 $0xFFFFE000  }
.LBB2_4:
0x1c: {  	s15 =	sshra.s32 s13, $0x2  }
0x1d: {  	v3 =	vld [tilespmem:s15+$0x0];
	_ =	sdelay $0x2  }
0x1e: {  	v4 =	vld [tilespmem:s15+$0x2000];
	_ =	sdelay $0x1  }
0x1f: {  	v3 =	vtrunc.f32 v3  }
0x20: {  	v3 =	vcvt.f32.s32 v3;
	_ =	sdelay $0x1  }
0x21: {  	v4 =	vshll.u32 v4, $0x3;
	v3 =	vadd.s32 v3, v0  }
0x22: {  	p0 =	sne.s32 s13, $0x7FC0;
	v3 =	vadd.s32 v4, v3  }
.Ltmp1:
0x23: {  	_ = 	snop;
	(pc) =	sbr.rel @p0 .LBB2_4-.Ltmp1, $2  }
0x24: {  	_ =	sdelay $0x2  }
0x25: {  	s13 =	sadd.s32 $0x40, s13;
	[tilespmem:v3+s11+$0x0] =	vst.idx.add.f32.msk $0xffff, v2  }
0x26: {  	s13 =	simm.s32 $0x4630  }
0x27: {  	v3 =	vld [tilespmem:s13+$0xFFFFF9D0];
	_ =	sdelay $0x1  }
0x28: {  	v4 =	vld [tilespmem:s13+$0xFFFFFA80];
	_ =	sdelay $0x1  }
0x29: {  	v5 =	vld [tilespmem:s13+$0xFFFFFB30]  }
0x2a: {  	v3 =	vadd.f32 $0.0e+00, v3  }
0x2b: {  	v6 =	vld [tilespmem:s13+$0xFFFFFBE0]  }
0x2c: {  	v3 =	vadd.f32 v4, v3  }
0x2d: {  	[tilespmem:s13+$0xFFFFF9D0] =	vst v1;
	v4 =	vld [tilespmem:s13+$0xFFFFFC90]  }
0x2e: {  	[tilespmem:s13+$0xFFFFFA80] =	vst v1;
	v3 =	vadd.f32 v5, v3  }
0x2f: {  	[tilespmem:s13+$0xFFFFFB30] =	vst v1;
	v5 =	vld [tilespmem:s13+$0xFFFFFD40]  }
0x30: {  	[tilespmem:s13+$0xFFFFFBE0] =	vst v1;
	v3 =	vadd.f32 v6, v3  }
0x31: {  	v60 =	vld [tilespmem:s13+$0xFFFFFDF0];
	[tilespmem:s13+$0xFFFFFDF0] =	vst v1  }
0x32: {  	[tilespmem:s13+$0xFFFFFC90] =	vst v1;
	v3 =	vadd.f32 v4, v3  }
0x33: {  	[tilespmem:s13+$0xFFFFFD40] =	vst v1;
	v4 =	vld [tilespmem:s13+$0xFFFFFEA0]  }
0x34: {  	s14 =	sand.u32 $0xF0, s14;
	[tilespmem:s13+$0xFFFFFEA0] =	vst v1;
	v3 =	vadd.f32 v5, v3  }
0x35: {  	v5 =	vld [tilespmem:s14+$0x4580]  }
0x36: {  	[tilespmem:s14+$0x4580] =	vst v1;
	v3 =	vadd.f32 v60, v3  }
0x37: {  	v61 =	vld [tilespmem:s13+$0x0]  }
0x38: {  	v3 =	vadd.f32 v4, v3  }
0x39: {  	v4 =	vld [tilespmem:s13+$0xB0]  }
0x3a: {  	v3 =	vadd.f32 v5, v3  }
0x3b: {  	v5 =	vld [tilespmem:s13+$0x160]  }
0x3c: {  	v3 =	vadd.f32 v61, v3  }
0x3d: {  	v62 =	vld [tilespmem:s13+$0x210]  }
0x3e: {  	v3 =	vadd.f32 v4, v3  }
0x3f: {  	v4 =	vld [tilespmem:s13+$0x2C0]  }
0x40: {  	v3 =	vadd.f32 v5, v3  }
0x41: {  	v5 =	vld [tilespmem:s13+$0x370]  }
0x42: {  	[tilespmem:s13+$0x0] =	vst v1;
	v3 =	vadd.f32 v62, v3  }
0x43: {  	v63 =	vld [tilespmem:s13+$0x420];
	[tilespmem:s13+$0x210] =	vst v1  }
0x44: {  	[tilespmem:s13+$0x420] =	vst v1;
	v3 =	vadd.f32 v4, v3  }
0x45: {  	[tilespmem:s13+$0xB0] =	vst v1  }
0x46: {  	[tilespmem:s13+$0x160] =	vst v1;
	v3 =	vadd.f32 v5, v3  }
0x47: {  	[tilespmem:s13+$0x2C0] =	vst v1  }
0x48: {  	s15 =	simm.s32 $0x10;
	s14 =	simm.s32 $0x4B00;
	[tilespmem:s13+$0x370] =	vst v1;
	v3 =	vadd.f32 v63, v3  }
.LBB2_6:
0x49: {  	_ = 	snop  }
0x4a: {  	p0 =	sne.s32 s15, $0xA0;
	s13 =	sadd.s32 $0x10, s13;
	[tilespmem:s14+$0x0] =	vst v3;
	s14 =	sadd.s32 $0x10, s14  }
0x4b: {  	s16 =	smov.u32 s15;
	s15 =	sadd.s32 $0x10, s15;
	v3 =	vld [tilespmem:s13+$0xFFFFF9D0];
	_ =	sdelay $0x1  }
0x4c: {  	v4 =	vld [tilespmem:s13+$0xFFFFFA80];
	_ =	sdelay $0x1  }
0x4d: {  	v5 =	vld [tilespmem:s13+$0xFFFFFB30]  }
0x4e: {  	v3 =	vadd.f32 $0.0e+00, v3  }
0x4f: {  	v6 =	vld [tilespmem:s13+$0xFFFFFBE0]  }
0x50: {  	v3 =	vadd.f32 v4, v3  }
0x51: {  	[tilespmem:s13+$0xFFFFF9D0] =	vst v1;
	v4 =	vld [tilespmem:s13+$0xFFFFFC90]  }
0x52: {  	[tilespmem:s13+$0xFFFFFA80] =	vst v1;
	v3 =	vadd.f32 v5, v3  }
0x53: {  	[tilespmem:s13+$0xFFFFFB30] =	vst v1;
	v5 =	vld [tilespmem:s13+$0xFFFFFD40]  }
0x54: {  	v3 =	vadd.f32 v6, v3;
	[tilespmem:s13+$0xFFFFFC90] =	vst v1  }
0x55: {  	[tilespmem:s13+$0xFFFFFBE0] =	vst v1;
	v6 =	vld [tilespmem:s13+$0xFFFFFDF0]  }
0x56: {  	v3 =	vadd.f32 v4, v3;
	[tilespmem:s13+$0xFFFFFDF0] =	vst v1  }
0x57: {  	[tilespmem:s13+$0xFFFFFD40] =	vst v1;
	v4 =	vld [tilespmem:s13+$0xFFFFFEA0]  }
0x58: {  	s16 =	sand.u32 $0xF0, s16;
	v3 =	vadd.f32 v5, v3;
	[tilespmem:s13+$0xFFFFFEA0] =	vst v1  }
0x59: {  	v5 =	vld [tilespmem:s16+$0x4580]  }
0x5a: {  	v3 =	vadd.f32 v6, v3;
	[tilespmem:s16+$0x4580] =	vst v1  }
0x5b: {  	v6 =	vld [tilespmem:s13+$0x0]  }
0x5c: {  	v3 =	vadd.f32 v4, v3;
	[tilespmem:s13+$0x0] =	vst v1  }
0x5d: {  	v4 =	vld [tilespmem:s13+$0xB0]  }
0x5e: {  	v3 =	vadd.f32 v5, v3;
	[tilespmem:s13+$0xB0] =	vst v1  }
0x5f: {  	v5 =	vld [tilespmem:s13+$0x160]  }
0x60: {  	v3 =	vadd.f32 v6, v3;
	[tilespmem:s13+$0x160] =	vst v1  }
0x61: {  	v6 =	vld [tilespmem:s13+$0x210]  }
0x62: {  	v3 =	vadd.f32 v4, v3;
	[tilespmem:s13+$0x210] =	vst v1  }
0x63: {  	v4 =	vld [tilespmem:s13+$0x2C0]  }
0x64: {  	v3 =	vadd.f32 v5, v3;
	[tilespmem:s13+$0x2C0] =	vst v1  }
0x65: {  	v5 =	vld [tilespmem:s13+$0x370]  }
0x66: {  	v3 =	vadd.f32 v6, v3;
	[tilespmem:s13+$0x370] =	vst v1  }
0x67: {  	v6 =	vld [tilespmem:s13+$0x420]  }
.Ltmp2:
0x68: {  	v3 =	vadd.f32 v4, v3;
	[tilespmem:s13+$0x420] =	vst v1;
	(pc) =	sbr.rel @p0 .LBB2_6-.Ltmp2, $3  }
0x69: {  	_ = 	snop  }
0x6a: {  	v3 =	vadd.f32 v5, v3;
	_ =	sdelay $0x1  }
0x6b: {  	v3 =	vadd.f32 v6, v3  }
0x6c: {  	s2 =	sadd.s32 $0x1, s2  }
0x6d: {  	p0 =	sne.s32 s2, s6  }
.Ltmp3:
0x6e: {  	[tilespmem:s14+$0x0] =	vst v3;
	(pc) =	sbr.rel @p0 .LBB2_1-.Ltmp3, $4  }
0x6f: {  	[hbm4b:s5+s7] =	stream.strided.scatter [tilespmem:s12], [sflag:$0x1], $0x100, s8, s7, $0x38;
	[tilespmem:$0x4C00] =	vst v63  }
0x70: {  	_ =	swait.ge [sflag:s9], $0x100  }
0x71: {  	[sflag:s9] =	ssyncset.done $0x0  }
0x72: {  	[sflag:s9] =	ssyncadd.s32 $0xFFFFFF00  }
0x73: {  	_ =	sfence.sel $0x180000  }
0x74: {  	[bflag:$0x0] =	sbarrier.arrive $0xFFFF  }
0x75: {  	p0 =	sne.s32 s0, $0x0;
	_ =	strace $0x90000047  }
0x76: {  	s0 =	sadd.s32 @!p0 $0x100000, s1;
	[bflag:$0x2] =	sbarrier.arrive $0xFFFF  }
0x77: {  	[sflag:s0] =	ssyncadd.tile.s32 @!p0 $0x1;
	_ =	shalt  }
.Lfunc_end2:
_tile_overlayer_lowered:
.L_overlay_start_2:
0x78: {  	(tag) =	ssettag $0x2  }
0x79: {  	s0 =	rddreg [dreg:$0x0];
	s2 =	stileid.u32  }
0x7a: {  	s1 =	rddreg [dreg:$0x1];
	p0 =	sne.s32 s2, $0x0  }
0x7b: {  	s3 =	rddreg [dreg:$0x2];
	[bflag:$0x3] =	sbarrier.arrive $0xFFFF;
	s2 =	simm.s32 @!p0 $0x1C01  }
0x7c: {  	[timem:s3], [sflag:s2] =	dma.local @!p0 [hbm:s0], s1  }
0x7d: {  	s0 =	simm.s32 @!p0 $0x1  }
0x7e: {  	_ =	swait.ge @!p0 [sflag:s0], s1  }
0x7f: {  	s1 =	ssub.s32 @!p0 $0x0, s1;
	[sflag:s0] =	ssyncset.done @!p0 $0x0  }
0x80: {  	[sflag:s0] =	ssyncadd.s32 @!p0 s1  }
0x81: {  	[bflag:$0x3] =	sbarrier.arrive $0xFFFF  }
0x82: {  	_ =	shalt  }

</sc_bundles>
